<compile_context>
chip_gen: v7x
topology: tpu7x:2x2x1
jax: 0.10.2.dev20260603
libtpu: 0.0.44.dev20260713+nightly
codegen_flags: <defaults>
</compile_context>

<pallas_src>
import functools

import jax
import jax.numpy as jnp
from jax import lax
from jax.experimental import pallas as pl
from jax.experimental.pallas import tpu as pltpu
from jax.experimental.pallas import tpu_sc as plsc

_B = 4096
_L = 50
_EMB = 128
_TOTAL = _B * _L

_info = plsc.get_sparse_core_info()
_NC = _info.num_cores
_NS = _info.num_subcores
_NW = _NC * _NS
_CHUNK = _B // _NW


@functools.partial(
    pl.kernel,
    mesh=plsc.VectorSubcoreMesh(core_axis_name="c", subcore_axis_name="s"),
    out_type=jax.ShapeDtypeStruct((_TOTAL, _EMB), jnp.float32),
    scratch_types=[
        pltpu.VMEM((_L, _CHUNK), jnp.int32),
        pltpu.VMEM((4, _CHUNK, _EMB), jnp.float32),
        pltpu.SemaphoreType.DMA,
        pltpu.SemaphoreType.DMA,
        pltpu.SemaphoreType.DMA,
        pltpu.SemaphoreType.DMA,
        pltpu.SemaphoreType.DMA,
        pltpu.SemaphoreType.DMA,
        pltpu.SemaphoreType.DMA,
        pltpu.SemaphoreType.DMA,
    ],
)
def _sc_gather(idx_hbm, table_hbm, out_hbm, idx_v, rows_v,
               g0, g1, g2, g3, w0, w1, w2, w3):
    wid = lax.axis_index("s") * _NC + lax.axis_index("c")
    base = wid * _CHUNK
    pltpu.sync_copy(idx_hbm.at[:, pl.ds(base, _CHUNK)], idx_v)

    gs = (g0, g1, g2, g3)
    ws = (w0, w1, w2, w3)

    def gather(l, b):
        return pltpu.make_async_copy(
            table_hbm.at[idx_v.at[l]], rows_v.at[b], gs[b])

    def writeback(l, b):
        return pltpu.make_async_copy(
            rows_v.at[b], out_hbm.at[pl.ds(l * _B + base, _CHUNK)], ws[b])

    gather(0, 0).start()
    gather(1, 1).start()
    gather(0, 0).wait()
    writeback(0, 0).start()
    gather(2, 2).start()
    gather(1, 1).wait()
    writeback(1, 1).start()
    gather(3, 3).start()

    def body(g, carry):
        for bp in range(4):
            l = 4 * g + 2 + bp
            b = (2 + bp) % 4
            gather(l, b).wait()
            writeback(l, b).start()
            writeback(l - 2, bp).wait()
            gather(l + 2, bp).start()
        return carry

    lax.fori_loop(0, (_L - 6) // 4, body, 0)

    l = _L - 4
    gather(l, 2).wait()
    writeback(l, 2).start()
    writeback(l - 2, 0).wait()
    gather(l + 2, 0).start()
    gather(l + 1, 3).wait()
    writeback(l + 1, 3).start()
    writeback(l - 1, 1).wait()
    gather(l + 3, 1).start()
    gather(l + 2, 0).wait()
    writeback(l + 2, 0).start()
    gather(l + 3, 1).wait()
    writeback(l + 3, 1).start()
    writeback(l, 2).wait()
    writeback(l + 1, 3).wait()
    writeback(l + 2, 0).wait()
    writeback(l + 3, 1).wait()


def kernel(batch_word_indexes, batch_char_indexes, word_table):
    del batch_char_indexes
    out = _sc_gather(batch_word_indexes.T, word_table)
    return out.reshape(_L, _B, _EMB).transpose(1, 0, 2)

# --- scband reference (transcript-rebuilt; emitter-appended) ---
"""Pipeline reference for scband-embedding-layer-45801531244767 (READ-ONLY COPY).

The authoritative reference and input builder live on the scoring server;
editing this copy changes nothing except your own understanding.
"""

import jax, jax.numpy as jnp
import numpy as np

VOCAB = 100000
EMB = 128
B = 4096
L = 50
CHAR_L = 16
CHAR_VOCAB = 100

def setup_inputs(seed: int = 0) -> dict:
    key = jax.random.key(seed)
    k1, k2, k3 = jax.random.split(key, 3)
    batch_word_indexes = jax.random.randint(k1, (B, L), 0, VOCAB, dtype=jnp.int32)
    batch_char_indexes = jax.random.randint(k2, (B, L, CHAR_L), 0, CHAR_VOCAB, dtype=jnp.int32)
    # learned word embedding table (initialized in torch from pickled glove matrix;
    # here we materialize an equivalent random float table)
    word_table = jax.random.normal(k3, (VOCAB, EMB), dtype=jnp.float32) * 0.02
    return {"batch_word_indexes": batch_word_indexes,
            "batch_char_indexes": batch_char_indexes,
            "word_table": word_table}

def reference(batch_word_indexes, batch_char_indexes, word_table):
    # Config has use_char_emb=False, use_word_emb=True, so forward reduces to the
    # word-level embedding lookup; batch_char_indexes is accepted but unused.
    # Torch returns (word_embedding, None); we return the word embedding array.
    word_embedding = jnp.take(word_table, batch_word_indexes, axis=0)
    return word_embedding

if __name__ == "__main__":
    import jax
    _d = setup_inputs()
    print(jax.jit(kernel)(*tuple(_d.values())))

</pallas_src>

<mosaic_0001>
#map = affine_map<(d0, d1) -> (0, 0)>
module attributes {stable_mosaic.version = 14 : i64} {
  func.func @_sc_gather(%arg0: i32, %arg1: i32, %arg2: memref<50x4096xi32, #tpu.memory_space<hbm>>, %arg3: memref<100000x128xf32, #tpu.memory_space<hbm>>, %arg4: memref<204800x128xf32, #tpu.memory_space<hbm>>, %arg5: memref<50x128xi32, #tpu.memory_space<vmem>>, %arg6: memref<4x128x128xf32, #tpu.memory_space<vmem>>, %arg7: memref<!tpu.dma_semaphore, #tpu.memory_space<semaphore_mem>>, %arg8: memref<!tpu.dma_semaphore, #tpu.memory_space<semaphore_mem>>, %arg9: memref<!tpu.dma_semaphore, #tpu.memory_space<semaphore_mem>>, %arg10: memref<!tpu.dma_semaphore, #tpu.memory_space<semaphore_mem>>, %arg11: memref<!tpu.dma_semaphore, #tpu.memory_space<semaphore_mem>>, %arg12: memref<!tpu.dma_semaphore, #tpu.memory_space<semaphore_mem>>, %arg13: memref<!tpu.dma_semaphore, #tpu.memory_space<semaphore_mem>>, %arg14: memref<!tpu.dma_semaphore, #tpu.memory_space<semaphore_mem>>) attributes {dimension_semantics = [#tpu.dimension_semantics<core_parallel>, #tpu.dimension_semantics<subcore_parallel>], iteration_bounds = array<i64: 2, 16>, scalar_prefetch = 0 : i64, scratch_operands = 10 : i64, tpu.core_type = #tpu.core_type<sc_vector_subcore>, window_params = [{transform_indices = #map}, {transform_indices = #map}, {transform_indices = #map}]} {
    %mul3A = arith.constant 2 : i32
    %mul3A_0 = arith.muli %arg1, %mul3A : i32
    %add3A = arith.addi %mul3A_0, %arg0 : i32
    %mul3A_1 = arith.constant 128 : i32
    %mul3A_2 = arith.muli %add3A, %mul3A_1 : i32
    "tpu.region"() ({
      %run_scoped3A = tpu.sem_alloc : memref<!tpu.dma_semaphore, #tpu.memory_space<semaphore_mem>>
      %dma_start3A_330 = arith.constant 0 : i32
      %dma_start3A_331 = tpu.memref_slice %arg2[%dma_start3A_330, %mul3A_2] : memref<50x4096xi32, #tpu.memory_space<hbm>> -> memref<50x128xi32, #tpu.memory_space<hbm>>
      %dma_start3A_332 = arith.constant 0 : i32
      %dma_start3A_333 = tpu.memref_slice %arg2[%dma_start3A_332, %mul3A_2] : memref<50x4096xi32, #tpu.memory_space<hbm>> -> memref<50x128xi32, #tpu.memory_space<hbm>>
      tpu.enqueue_dma source(%dma_start3A_333 : memref<50x128xi32, #tpu.memory_space<hbm>>) target(%arg5 : memref<50x128xi32, #tpu.memory_space<vmem>>) target_semaphore(%run_scoped3A : memref<!tpu.dma_semaphore, #tpu.memory_space<semaphore_mem>>)
      %dma_wait3A_334 = arith.constant 0 : i32
      %dma_wait3A_335 = tpu.memref_slice %arg2[%dma_wait3A_334, %mul3A_2] : memref<50x4096xi32, #tpu.memory_space<hbm>> -> memref<50x128xi32, #tpu.memory_space<hbm>>
      %dma_wait3A_336 = arith.constant 0 : i32
      %dma_wait3A_337 = tpu.memref_slice %arg2[%dma_wait3A_336, %mul3A_2] : memref<50x4096xi32, #tpu.memory_space<hbm>> -> memref<50x128xi32, #tpu.memory_space<hbm>>
      tpu.wait_dma2 semaphore(%run_scoped3A : memref<!tpu.dma_semaphore, #tpu.memory_space<semaphore_mem>>) src(%dma_wait3A_337 : memref<50x128xi32, #tpu.memory_space<hbm>>) dst(%arg5 : memref<50x128xi32, #tpu.memory_space<vmem>>)
      tpu.yield
    }) : () -> ()
    %dma_start3A = arith.constant 0 : i32
    %dma_start3A_3 = arith.constant 0 : i32
    %dma_start3A_4 = arith.constant 0 : i32
    %dma_start3A_5 = arith.constant 0 : i32
    %dma_start3A_6 = tpu.memref_slice %arg6[%dma_start3A_3, %dma_start3A_4, %dma_start3A_5] : memref<4x128x128xf32, #tpu.memory_space<vmem>> -> memref<1x128x128xf32, #tpu.memory_space<vmem>>
    %dma_start3A_7 = tpu.memref_squeeze %dma_start3A_6 : memref<1x128x128xf32, #tpu.memory_space<vmem>> -> memref<128x128xf32, #tpu.memory_space<vmem>>
    %dma_start3A_8 = arith.constant 0 : i32
    %dma_start3A_9 = tpu.memref_slice %arg5[%dma_start3A, %dma_start3A_8] : memref<50x128xi32, #tpu.memory_space<vmem>> -> memref<1x128xi32, #tpu.memory_space<vmem>>
    %dma_start3A_10 = tpu.memref_squeeze %dma_start3A_9 : memref<1x128xi32, #tpu.memory_space<vmem>> -> memref<128xi32, #tpu.memory_space<vmem>>
    %dma_start3A_11 = arith.constant 0 : i32
    %dma_start3A_12 = arith.constant 0 : i32
    %dma_start3A_13 = tpu.memref_slice %arg3[%dma_start3A_11, %dma_start3A_12] : memref<100000x128xf32, #tpu.memory_space<hbm>> -> memref<100000x128xf32, #tpu.memory_space<hbm>>
    tpu.enqueue_indirect_dma source(%dma_start3A_13 : memref<100000x128xf32, #tpu.memory_space<hbm>>) target(%dma_start3A_7 : memref<128x128xf32, #tpu.memory_space<vmem>>) offsets(%dma_start3A_10 : memref<128xi32, #tpu.memory_space<vmem>>) semaphore(%arg7 : memref<!tpu.dma_semaphore, #tpu.memory_space<semaphore_mem>>)
    %dma_start3A_14 = arith.constant 1 : i32
    %dma_start3A_15 = arith.constant 1 : i32
    %dma_start3A_16 = arith.constant 0 : i32
    %dma_start3A_17 = arith.constant 0 : i32
    %dma_start3A_18 = tpu.memref_slice %arg6[%dma_start3A_15, %dma_start3A_16, %dma_start3A_17] : memref<4x128x128xf32, #tpu.memory_space<vmem>> -> memref<1x128x128xf32, #tpu.memory_space<vmem>>
    %dma_start3A_19 = tpu.memref_squeeze %dma_start3A_18 : memref<1x128x128xf32, #tpu.memory_space<vmem>> -> memref<128x128xf32, #tpu.memory_space<vmem>>
    %dma_start3A_20 = arith.constant 0 : i32
    %dma_start3A_21 = tpu.memref_slice %arg5[%dma_start3A_14, %dma_start3A_20] : memref<50x128xi32, #tpu.memory_space<vmem>> -> memref<1x128xi32, #tpu.memory_space<vmem>>
    %dma_start3A_22 = tpu.memref_squeeze %dma_start3A_21 : memref<1x128xi32, #tpu.memory_space<vmem>> -> memref<128xi32, #tpu.memory_space<vmem>>
    %dma_start3A_23 = arith.constant 0 : i32
    %dma_start3A_24 = arith.constant 0 : i32
    %dma_start3A_25 = tpu.memref_slice %arg3[%dma_start3A_23, %dma_start3A_24] : memref<100000x128xf32, #tpu.memory_space<hbm>> -> memref<100000x128xf32, #tpu.memory_space<hbm>>
    tpu.enqueue_indirect_dma source(%dma_start3A_25 : memref<100000x128xf32, #tpu.memory_space<hbm>>) target(%dma_start3A_19 : memref<128x128xf32, #tpu.memory_space<vmem>>) offsets(%dma_start3A_22 : memref<128xi32, #tpu.memory_space<vmem>>) semaphore(%arg8 : memref<!tpu.dma_semaphore, #tpu.memory_space<semaphore_mem>>)
    %dma_wait3A = arith.constant 0 : i32
    %dma_wait3A_26 = arith.constant 0 : i32
    %dma_wait3A_27 = arith.constant 0 : i32
    %dma_wait3A_28 = arith.constant 0 : i32
    %dma_wait3A_29 = tpu.memref_slice %arg6[%dma_wait3A_26, %dma_wait3A_27, %dma_wait3A_28] : memref<4x128x128xf32, #tpu.memory_space<vmem>> -> memref<1x128x128xf32, #tpu.memory_space<vmem>>
    %dma_wait3A_30 = tpu.memref_squeeze %dma_wait3A_29 : memref<1x128x128xf32, #tpu.memory_space<vmem>> -> memref<128x128xf32, #tpu.memory_space<vmem>>
    %dma_wait3A_31 = arith.constant 0 : i32
    %dma_wait3A_32 = tpu.memref_slice %arg5[%dma_wait3A, %dma_wait3A_31] : memref<50x128xi32, #tpu.memory_space<vmem>> -> memref<1x128xi32, #tpu.memory_space<vmem>>
    %dma_wait3A_33 = tpu.memref_squeeze %dma_wait3A_32 : memref<1x128xi32, #tpu.memory_space<vmem>> -> memref<128xi32, #tpu.memory_space<vmem>>
    %dma_wait3A_34 = arith.constant 0 : i32
    %dma_wait3A_35 = arith.constant 0 : i32
    %dma_wait3A_36 = tpu.memref_slice %arg3[%dma_wait3A_34, %dma_wait3A_35] : memref<100000x128xf32, #tpu.memory_space<hbm>> -> memref<100000x128xf32, #tpu.memory_space<hbm>>
    tpu.wait_indirect_dma semaphore(%arg7 : memref<!tpu.dma_semaphore, #tpu.memory_space<semaphore_mem>>) src(%dma_wait3A_36 : memref<100000x128xf32, #tpu.memory_space<hbm>>) dst(%dma_wait3A_30 : memref<128x128xf32, #tpu.memory_space<vmem>>)
    %add3A_37 = arith.constant 0 : i32
    %add3A_38 = arith.addi %add3A_37, %mul3A_2 : i32
    %dma_start3A_39 = arith.constant 0 : i32
    %dma_start3A_40 = arith.constant 0 : i32
    %dma_start3A_41 = arith.constant 0 : i32
    %dma_start3A_42 = tpu.memref_slice %arg6[%dma_start3A_39, %dma_start3A_40, %dma_start3A_41] : memref<4x128x128xf32, #tpu.memory_space<vmem>> -> memref<1x128x128xf32, #tpu.memory_space<vmem>>
    %dma_start3A_43 = tpu.memref_squeeze %dma_start3A_42 : memref<1x128x128xf32, #tpu.memory_space<vmem>> -> memref<128x128xf32, #tpu.memory_space<vmem>>
    %dma_start3A_44 = arith.constant 0 : i32
    %dma_start3A_45 = tpu.memref_slice %arg4[%add3A_38, %dma_start3A_44] : memref<204800x128xf32, #tpu.memory_space<hbm>> -> memref<128x128xf32, #tpu.memory_space<hbm>>
    %dma_start3A_46 = arith.constant 0 : i32
    %dma_start3A_47 = tpu.memref_slice %arg4[%add3A_38, %dma_start3A_46] : memref<204800x128xf32, #tpu.memory_space<hbm>> -> memref<128x128xf32, #tpu.memory_space<hbm>>
    %dma_start3A_48 = arith.constant 0 : i32
    %dma_start3A_49 = arith.constant 0 : i32
    %dma_start3A_50 = tpu.memref_slice %arg6[%dma_start3A_39, %dma_start3A_48, %dma_start3A_49] : memref<4x128x128xf32, #tpu.memory_space<vmem>> -> memref<1x128x128xf32, #tpu.memory_space<vmem>>
    %dma_start3A_51 = tpu.memref_squeeze %dma_start3A_50 : memref<1x128x128xf32, #tpu.memory_space<vmem>> -> memref<128x128xf32, #tpu.memory_space<vmem>>
    tpu.enqueue_dma source(%dma_start3A_51 : memref<128x128xf32, #tpu.memory_space<vmem>>) target(%dma_start3A_47 : memref<128x128xf32, #tpu.memory_space<hbm>>) target_semaphore(%arg11 : memref<!tpu.dma_semaphore, #tpu.memory_space<semaphore_mem>>)
    %dma_start3A_52 = arith.constant 2 : i32
    %dma_start3A_53 = arith.constant 2 : i32
    %dma_start3A_54 = arith.constant 0 : i32
    %dma_start3A_55 = arith.constant 0 : i32
    %dma_start3A_56 = tpu.memref_slice %arg6[%dma_start3A_53, %dma_start3A_54, %dma_start3A_55] : memref<4x128x128xf32, #tpu.memory_space<vmem>> -> memref<1x128x128xf32, #tpu.memory_space<vmem>>
    %dma_start3A_57 = tpu.memref_squeeze %dma_start3A_56 : memref<1x128x128xf32, #tpu.memory_space<vmem>> -> memref<128x128xf32, #tpu.memory_space<vmem>>
    %dma_start3A_58 = arith.constant 0 : i32
    %dma_start3A_59 = tpu.memref_slice %arg5[%dma_start3A_52, %dma_start3A_58] : memref<50x128xi32, #tpu.memory_space<vmem>> -> memref<1x128xi32, #tpu.memory_space<vmem>>
    %dma_start3A_60 = tpu.memref_squeeze %dma_start3A_59 : memref<1x128xi32, #tpu.memory_space<vmem>> -> memref<128xi32, #tpu.memory_space<vmem>>
    %dma_start3A_61 = arith.constant 0 : i32
    %dma_start3A_62 = arith.constant 0 : i32
    %dma_start3A_63 = tpu.memref_slice %arg3[%dma_start3A_61, %dma_start3A_62] : memref<100000x128xf32, #tpu.memory_space<hbm>> -> memref<100000x128xf32, #tpu.memory_space<hbm>>
    tpu.enqueue_indirect_dma source(%dma_start3A_63 : memref<100000x128xf32, #tpu.memory_space<hbm>>) target(%dma_start3A_57 : memref<128x128xf32, #tpu.memory_space<vmem>>) offsets(%dma_start3A_60 : memref<128xi32, #tpu.memory_space<vmem>>) semaphore(%arg9 : memref<!tpu.dma_semaphore, #tpu.memory_space<semaphore_mem>>)
    %dma_wait3A_64 = arith.constant 1 : i32
    %dma_wait3A_65 = arith.constant 1 : i32
    %dma_wait3A_66 = arith.constant 0 : i32
    %dma_wait3A_67 = arith.constant 0 : i32
    %dma_wait3A_68 = tpu.memref_slice %arg6[%dma_wait3A_65, %dma_wait3A_66, %dma_wait3A_67] : memref<4x128x128xf32, #tpu.memory_space<vmem>> -> memref<1x128x128xf32, #tpu.memory_space<vmem>>
    %dma_wait3A_69 = tpu.memref_squeeze %dma_wait3A_68 : memref<1x128x128xf32, #tpu.memory_space<vmem>> -> memref<128x128xf32, #tpu.memory_space<vmem>>
    %dma_wait3A_70 = arith.constant 0 : i32
    %dma_wait3A_71 = tpu.memref_slice %arg5[%dma_wait3A_64, %dma_wait3A_70] : memref<50x128xi32, #tpu.memory_space<vmem>> -> memref<1x128xi32, #tpu.memory_space<vmem>>
    %dma_wait3A_72 = tpu.memref_squeeze %dma_wait3A_71 : memref<1x128xi32, #tpu.memory_space<vmem>> -> memref<128xi32, #tpu.memory_space<vmem>>
    %dma_wait3A_73 = arith.constant 0 : i32
    %dma_wait3A_74 = arith.constant 0 : i32
    %dma_wait3A_75 = tpu.memref_slice %arg3[%dma_wait3A_73, %dma_wait3A_74] : memref<100000x128xf32, #tpu.memory_space<hbm>> -> memref<100000x128xf32, #tpu.memory_space<hbm>>
    tpu.wait_indirect_dma semaphore(%arg8 : memref<!tpu.dma_semaphore, #tpu.memory_space<semaphore_mem>>) src(%dma_wait3A_75 : memref<100000x128xf32, #tpu.memory_space<hbm>>) dst(%dma_wait3A_69 : memref<128x128xf32, #tpu.memory_space<vmem>>)
    %add3A_76 = arith.constant 4096 : i32
    %add3A_77 = arith.addi %add3A_76, %mul3A_2 : i32
    %dma_start3A_78 = arith.constant 1 : i32
    %dma_start3A_79 = arith.constant 0 : i32
    %dma_start3A_80 = arith.constant 0 : i32
    %dma_start3A_81 = tpu.memref_slice %arg6[%dma_start3A_78, %dma_start3A_79, %dma_start3A_80] : memref<4x128x128xf32, #tpu.memory_space<vmem>> -> memref<1x128x128xf32, #tpu.memory_space<vmem>>
    %dma_start3A_82 = tpu.memref_squeeze %dma_start3A_81 : memref<1x128x128xf32, #tpu.memory_space<vmem>> -> memref<128x128xf32, #tpu.memory_space<vmem>>
    %dma_start3A_83 = arith.constant 0 : i32
    %dma_start3A_84 = tpu.memref_slice %arg4[%add3A_77, %dma_start3A_83] : memref<204800x128xf32, #tpu.memory_space<hbm>> -> memref<128x128xf32, #tpu.memory_space<hbm>>
    %dma_start3A_85 = arith.constant 0 : i32
    %dma_start3A_86 = tpu.memref_slice %arg4[%add3A_77, %dma_start3A_85] : memref<204800x128xf32, #tpu.memory_space<hbm>> -> memref<128x128xf32, #tpu.memory_space<hbm>>
    %dma_start3A_87 = arith.constant 0 : i32
    %dma_start3A_88 = arith.constant 0 : i32
    %dma_start3A_89 = tpu.memref_slice %arg6[%dma_start3A_78, %dma_start3A_87, %dma_start3A_88] : memref<4x128x128xf32, #tpu.memory_space<vmem>> -> memref<1x128x128xf32, #tpu.memory_space<vmem>>
    %dma_start3A_90 = tpu.memref_squeeze %dma_start3A_89 : memref<1x128x128xf32, #tpu.memory_space<vmem>> -> memref<128x128xf32, #tpu.memory_space<vmem>>
    tpu.enqueue_dma source(%dma_start3A_90 : memref<128x128xf32, #tpu.memory_space<vmem>>) target(%dma_start3A_86 : memref<128x128xf32, #tpu.memory_space<hbm>>) target_semaphore(%arg12 : memref<!tpu.dma_semaphore, #tpu.memory_space<semaphore_mem>>)
    %dma_start3A_91 = arith.constant 3 : i32
    %dma_start3A_92 = arith.constant 3 : i32
    %dma_start3A_93 = arith.constant 0 : i32
    %dma_start3A_94 = arith.constant 0 : i32
    %dma_start3A_95 = tpu.memref_slice %arg6[%dma_start3A_92, %dma_start3A_93, %dma_start3A_94] : memref<4x128x128xf32, #tpu.memory_space<vmem>> -> memref<1x128x128xf32, #tpu.memory_space<vmem>>
    %dma_start3A_96 = tpu.memref_squeeze %dma_start3A_95 : memref<1x128x128xf32, #tpu.memory_space<vmem>> -> memref<128x128xf32, #tpu.memory_space<vmem>>
    %dma_start3A_97 = arith.constant 0 : i32
    %dma_start3A_98 = tpu.memref_slice %arg5[%dma_start3A_91, %dma_start3A_97] : memref<50x128xi32, #tpu.memory_space<vmem>> -> memref<1x128xi32, #tpu.memory_space<vmem>>
    %dma_start3A_99 = tpu.memref_squeeze %dma_start3A_98 : memref<1x128xi32, #tpu.memory_space<vmem>> -> memref<128xi32, #tpu.memory_space<vmem>>
    %dma_start3A_100 = arith.constant 0 : i32
    %dma_start3A_101 = arith.constant 0 : i32
    %dma_start3A_102 = tpu.memref_slice %arg3[%dma_start3A_100, %dma_start3A_101] : memref<100000x128xf32, #tpu.memory_space<hbm>> -> memref<100000x128xf32, #tpu.memory_space<hbm>>
    tpu.enqueue_indirect_dma source(%dma_start3A_102 : memref<100000x128xf32, #tpu.memory_space<hbm>>) target(%dma_start3A_96 : memref<128x128xf32, #tpu.memory_space<vmem>>) offsets(%dma_start3A_99 : memref<128xi32, #tpu.memory_space<vmem>>) semaphore(%arg10 : memref<!tpu.dma_semaphore, #tpu.memory_space<semaphore_mem>>)
    %scan3A = arith.constant 0 : i32
    %scan3A_103 = arith.constant 0 : i32
    %scan3A_104 = arith.constant 11 : i32
    %scan3A_105 = arith.addi %scan3A_103, %scan3A_104 : i32
    %scan3A_106 = arith.constant 1 : i32
    scf.for %scan3A_330 = %scan3A_103 to %scan3A_105 step %scan3A_106  : i32 {
      %mul3A_331 = arith.constant 4 : i32
      %mul3A_332 = arith.muli %mul3A_331, %scan3A_330 : i32
      %add3A_333 = arith.constant 2 : i32
      %add3A_334 = arith.addi %mul3A_332, %add3A_333 : i32
      %add3A_335 = arith.constant 0 : i32
      %add3A_336 = arith.addi %add3A_334, %add3A_335 : i32
      %dma_wait3A_337 = arith.constant 2 : i32
      %dma_wait3A_338 = arith.constant 0 : i32
      %dma_wait3A_339 = arith.constant 0 : i32
      %dma_wait3A_340 = tpu.memref_slice %arg6[%dma_wait3A_337, %dma_wait3A_338, %dma_wait3A_339] : memref<4x128x128xf32, #tpu.memory_space<vmem>> -> memref<1x128x128xf32, #tpu.memory_space<vmem>>
      %dma_wait3A_341 = tpu.memref_squeeze %dma_wait3A_340 : memref<1x128x128xf32, #tpu.memory_space<vmem>> -> memref<128x128xf32, #tpu.memory_space<vmem>>
      %dma_wait3A_342 = arith.constant 0 : i32
      %dma_wait3A_343 = tpu.memref_slice %arg5[%add3A_336, %dma_wait3A_342] : memref<50x128xi32, #tpu.memory_space<vmem>> -> memref<1x128xi32, #tpu.memory_space<vmem>>
      %dma_wait3A_344 = tpu.memref_squeeze %dma_wait3A_343 : memref<1x128xi32, #tpu.memory_space<vmem>> -> memref<128xi32, #tpu.memory_space<vmem>>
      %dma_wait3A_345 = arith.constant 0 : i32
      %dma_wait3A_346 = arith.constant 0 : i32
      %dma_wait3A_347 = tpu.memref_slice %arg3[%dma_wait3A_345, %dma_wait3A_346] : memref<100000x128xf32, #tpu.memory_space<hbm>> -> memref<100000x128xf32, #tpu.memory_space<hbm>>
      tpu.wait_indirect_dma semaphore(%arg9 : memref<!tpu.dma_semaphore, #tpu.memory_space<semaphore_mem>>) src(%dma_wait3A_347 : memref<100000x128xf32, #tpu.memory_space<hbm>>) dst(%dma_wait3A_341 : memref<128x128xf32, #tpu.memory_space<vmem>>)
      %mul3A_348 = arith.constant 4096 : i32
      %mul3A_349 = arith.muli %add3A_336, %mul3A_348 : i32
      %add3A_350 = arith.addi %mul3A_349, %mul3A_2 : i32
      %dma_start3A_351 = arith.constant 2 : i32
      %dma_start3A_352 = arith.constant 0 : i32
      %dma_start3A_353 = arith.constant 0 : i32
      %dma_start3A_354 = tpu.memref_slice %arg6[%dma_start3A_351, %dma_start3A_352, %dma_start3A_353] : memref<4x128x128xf32, #tpu.memory_space<vmem>> -> memref<1x128x128xf32, #tpu.memory_space<vmem>>
      %dma_start3A_355 = tpu.memref_squeeze %dma_start3A_354 : memref<1x128x128xf32, #tpu.memory_space<vmem>> -> memref<128x128xf32, #tpu.memory_space<vmem>>
      %dma_start3A_356 = arith.constant 0 : i32
      %dma_start3A_357 = tpu.memref_slice %arg4[%add3A_350, %dma_start3A_356] : memref<204800x128xf32, #tpu.memory_space<hbm>> -> memref<128x128xf32, #tpu.memory_space<hbm>>
      %dma_start3A_358 = arith.constant 0 : i32
      %dma_start3A_359 = tpu.memref_slice %arg4[%add3A_350, %dma_start3A_358] : memref<204800x128xf32, #tpu.memory_space<hbm>> -> memref<128x128xf32, #tpu.memory_space<hbm>>
      %dma_start3A_360 = arith.constant 0 : i32
      %dma_start3A_361 = arith.constant 0 : i32
      %dma_start3A_362 = tpu.memref_slice %arg6[%dma_start3A_351, %dma_start3A_360, %dma_start3A_361] : memref<4x128x128xf32, #tpu.memory_space<vmem>> -> memref<1x128x128xf32, #tpu.memory_space<vmem>>
      %dma_start3A_363 = tpu.memref_squeeze %dma_start3A_362 : memref<1x128x128xf32, #tpu.memory_space<vmem>> -> memref<128x128xf32, #tpu.memory_space<vmem>>
      tpu.enqueue_dma source(%dma_start3A_363 : memref<128x128xf32, #tpu.memory_space<vmem>>) target(%dma_start3A_359 : memref<128x128xf32, #tpu.memory_space<hbm>>) target_semaphore(%arg13 : memref<!tpu.dma_semaphore, #tpu.memory_space<semaphore_mem>>)
      %sub3A = arith.constant 2 : i32
      %sub3A_364 = arith.subi %add3A_336, %sub3A : i32
      %mul3A_365 = arith.constant 4096 : i32
      %mul3A_366 = arith.muli %sub3A_364, %mul3A_365 : i32
      %add3A_367 = arith.addi %mul3A_366, %mul3A_2 : i32
      %dma_wait3A_368 = arith.constant 0 : i32
      %dma_wait3A_369 = arith.constant 0 : i32
      %dma_wait3A_370 = arith.constant 0 : i32
      %dma_wait3A_371 = tpu.memref_slice %arg6[%dma_wait3A_368, %dma_wait3A_369, %dma_wait3A_370] : memref<4x128x128xf32, #tpu.memory_space<vmem>> -> memref<1x128x128xf32, #tpu.memory_space<vmem>>
      %dma_wait3A_372 = tpu.memref_squeeze %dma_wait3A_371 : memref<1x128x128xf32, #tpu.memory_space<vmem>> -> memref<128x128xf32, #tpu.memory_space<vmem>>
      %dma_wait3A_373 = arith.constant 0 : i32
      %dma_wait3A_374 = tpu.memref_slice %arg4[%add3A_367, %dma_wait3A_373] : memref<204800x128xf32, #tpu.memory_space<hbm>> -> memref<128x128xf32, #tpu.memory_space<hbm>>
      %dma_wait3A_375 = arith.constant 0 : i32
      %dma_wait3A_376 = tpu.memref_slice %arg4[%add3A_367, %dma_wait3A_375] : memref<204800x128xf32, #tpu.memory_space<hbm>> -> memref<128x128xf32, #tpu.memory_space<hbm>>
      %dma_wait3A_377 = arith.constant 0 : i32
      %dma_wait3A_378 = arith.constant 0 : i32
      %dma_wait3A_379 = tpu.memref_slice %arg6[%dma_wait3A_368, %dma_wait3A_377, %dma_wait3A_378] : memref<4x128x128xf32, #tpu.memory_space<vmem>> -> memref<1x128x128xf32, #tpu.memory_space<vmem>>
      %dma_wait3A_380 = tpu.memref_squeeze %dma_wait3A_379 : memref<1x128x128xf32, #tpu.memory_space<vmem>> -> memref<128x128xf32, #tpu.memory_space<vmem>>
      tpu.wait_dma2 semaphore(%arg11 : memref<!tpu.dma_semaphore, #tpu.memory_space<semaphore_mem>>) src(%dma_wait3A_380 : memref<128x128xf32, #tpu.memory_space<vmem>>) dst(%dma_wait3A_376 : memref<128x128xf32, #tpu.memory_space<hbm>>)
      %add3A_381 = arith.constant 2 : i32
      %add3A_382 = arith.addi %add3A_336, %add3A_381 : i32
      %dma_start3A_383 = arith.constant 0 : i32
      %dma_start3A_384 = arith.constant 0 : i32
      %dma_start3A_385 = arith.constant 0 : i32
      %dma_start3A_386 = tpu.memref_slice %arg6[%dma_start3A_383, %dma_start3A_384, %dma_start3A_385] : memref<4x128x128xf32, #tpu.memory_space<vmem>> -> memref<1x128x128xf32, #tpu.memory_space<vmem>>
      %dma_start3A_387 = tpu.memref_squeeze %dma_start3A_386 : memref<1x128x128xf32, #tpu.memory_space<vmem>> -> memref<128x128xf32, #tpu.memory_space<vmem>>
      %dma_start3A_388 = arith.constant 0 : i32
      %dma_start3A_389 = tpu.memref_slice %arg5[%add3A_382, %dma_start3A_388] : memref<50x128xi32, #tpu.memory_space<vmem>> -> memref<1x128xi32, #tpu.memory_space<vmem>>
      %dma_start3A_390 = tpu.memref_squeeze %dma_start3A_389 : memref<1x128xi32, #tpu.memory_space<vmem>> -> memref<128xi32, #tpu.memory_space<vmem>>
      %dma_start3A_391 = arith.constant 0 : i32
      %dma_start3A_392 = arith.constant 0 : i32
      %dma_start3A_393 = tpu.memref_slice %arg3[%dma_start3A_391, %dma_start3A_392] : memref<100000x128xf32, #tpu.memory_space<hbm>> -> memref<100000x128xf32, #tpu.memory_space<hbm>>
      tpu.enqueue_indirect_dma source(%dma_start3A_393 : memref<100000x128xf32, #tpu.memory_space<hbm>>) target(%dma_start3A_387 : memref<128x128xf32, #tpu.memory_space<vmem>>) offsets(%dma_start3A_390 : memref<128xi32, #tpu.memory_space<vmem>>) semaphore(%arg7 : memref<!tpu.dma_semaphore, #tpu.memory_space<semaphore_mem>>)
      %mul3A_394 = arith.constant 4 : i32
      %mul3A_395 = arith.muli %mul3A_394, %scan3A_330 : i32
      %add3A_396 = arith.constant 2 : i32
      %add3A_397 = arith.addi %mul3A_395, %add3A_396 : i32
      %add3A_398 = arith.constant 1 : i32
      %add3A_399 = arith.addi %add3A_397, %add3A_398 : i32
      %dma_wait3A_400 = arith.constant 3 : i32
      %dma_wait3A_401 = arith.constant 0 : i32
      %dma_wait3A_402 = arith.constant 0 : i32
      %dma_wait3A_403 = tpu.memref_slice %arg6[%dma_wait3A_400, %dma_wait3A_401, %dma_wait3A_402] : memref<4x128x128xf32, #tpu.memory_space<vmem>> -> memref<1x128x128xf32, #tpu.memory_space<vmem>>
      %dma_wait3A_404 = tpu.memref_squeeze %dma_wait3A_403 : memref<1x128x128xf32, #tpu.memory_space<vmem>> -> memref<128x128xf32, #tpu.memory_space<vmem>>
      %dma_wait3A_405 = arith.constant 0 : i32
      %dma_wait3A_406 = tpu.memref_slice %arg5[%add3A_399, %dma_wait3A_405] : memref<50x128xi32, #tpu.memory_space<vmem>> -> memref<1x128xi32, #tpu.memory_space<vmem>>
      %dma_wait3A_407 = tpu.memref_squeeze %dma_wait3A_406 : memref<1x128xi32, #tpu.memory_space<vmem>> -> memref<128xi32, #tpu.memory_space<vmem>>
      %dma_wait3A_408 = arith.constant 0 : i32
      %dma_wait3A_409 = arith.constant 0 : i32
      %dma_wait3A_410 = tpu.memref_slice %arg3[%dma_wait3A_408, %dma_wait3A_409] : memref<100000x128xf32, #tpu.memory_space<hbm>> -> memref<100000x128xf32, #tpu.memory_space<hbm>>
      tpu.wait_indirect_dma semaphore(%arg10 : memref<!tpu.dma_semaphore, #tpu.memory_space<semaphore_mem>>) src(%dma_wait3A_410 : memref<100000x128xf32, #tpu.memory_space<hbm>>) dst(%dma_wait3A_404 : memref<128x128xf32, #tpu.memory_space<vmem>>)
      %mul3A_411 = arith.constant 4096 : i32
      %mul3A_412 = arith.muli %add3A_399, %mul3A_411 : i32
      %add3A_413 = arith.addi %mul3A_412, %mul3A_2 : i32
      %dma_start3A_414 = arith.constant 3 : i32
      %dma_start3A_415 = arith.constant 0 : i32
      %dma_start3A_416 = arith.constant 0 : i32
      %dma_start3A_417 = tpu.memref_slice %arg6[%dma_start3A_414, %dma_start3A_415, %dma_start3A_416] : memref<4x128x128xf32, #tpu.memory_space<vmem>> -> memref<1x128x128xf32, #tpu.memory_space<vmem>>
      %dma_start3A_418 = tpu.memref_squeeze %dma_start3A_417 : memref<1x128x128xf32, #tpu.memory_space<vmem>> -> memref<128x128xf32, #tpu.memory_space<vmem>>
      %dma_start3A_419 = arith.constant 0 : i32
      %dma_start3A_420 = tpu.memref_slice %arg4[%add3A_413, %dma_start3A_419] : memref<204800x128xf32, #tpu.memory_space<hbm>> -> memref<128x128xf32, #tpu.memory_space<hbm>>
      %dma_start3A_421 = arith.constant 0 : i32
      %dma_start3A_422 = tpu.memref_slice %arg4[%add3A_413, %dma_start3A_421] : memref<204800x128xf32, #tpu.memory_space<hbm>> -> memref<128x128xf32, #tpu.memory_space<hbm>>
      %dma_start3A_423 = arith.constant 0 : i32
      %dma_start3A_424 = arith.constant 0 : i32
      %dma_start3A_425 = tpu.memref_slice %arg6[%dma_start3A_414, %dma_start3A_423, %dma_start3A_424] : memref<4x128x128xf32, #tpu.memory_space<vmem>> -> memref<1x128x128xf32, #tpu.memory_space<vmem>>
      %dma_start3A_426 = tpu.memref_squeeze %dma_start3A_425 : memref<1x128x128xf32, #tpu.memory_space<vmem>> -> memref<128x128xf32, #tpu.memory_space<vmem>>
      tpu.enqueue_dma source(%dma_start3A_426 : memref<128x128xf32, #tpu.memory_space<vmem>>) target(%dma_start3A_422 : memref<128x128xf32, #tpu.memory_space<hbm>>) target_semaphore(%arg14 : memref<!tpu.dma_semaphore, #tpu.memory_space<semaphore_mem>>)
      %sub3A_427 = arith.constant 2 : i32
      %sub3A_428 = arith.subi %add3A_399, %sub3A_427 : i32
      %mul3A_429 = arith.constant 4096 : i32
      %mul3A_430 = arith.muli %sub3A_428, %mul3A_429 : i32
      %add3A_431 = arith.addi %mul3A_430, %mul3A_2 : i32
      %dma_wait3A_432 = arith.constant 1 : i32
      %dma_wait3A_433 = arith.constant 0 : i32
      %dma_wait3A_434 = arith.constant 0 : i32
      %dma_wait3A_435 = tpu.memref_slice %arg6[%dma_wait3A_432, %dma_wait3A_433, %dma_wait3A_434] : memref<4x128x128xf32, #tpu.memory_space<vmem>> -> memref<1x128x128xf32, #tpu.memory_space<vmem>>
      %dma_wait3A_436 = tpu.memref_squeeze %dma_wait3A_435 : memref<1x128x128xf32, #tpu.memory_space<vmem>> -> memref<128x128xf32, #tpu.memory_space<vmem>>
      %dma_wait3A_437 = arith.constant 0 : i32
      %dma_wait3A_438 = tpu.memref_slice %arg4[%add3A_431, %dma_wait3A_437] : memref<204800x128xf32, #tpu.memory_space<hbm>> -> memref<128x128xf32, #tpu.memory_space<hbm>>
      %dma_wait3A_439 = arith.constant 0 : i32
      %dma_wait3A_440 = tpu.memref_slice %arg4[%add3A_431, %dma_wait3A_439] : memref<204800x128xf32, #tpu.memory_space<hbm>> -> memref<128x128xf32, #tpu.memory_space<hbm>>
      %dma_wait3A_441 = arith.constant 0 : i32
      %dma_wait3A_442 = arith.constant 0 : i32
      %dma_wait3A_443 = tpu.memref_slice %arg6[%dma_wait3A_432, %dma_wait3A_441, %dma_wait3A_442] : memref<4x128x128xf32, #tpu.memory_space<vmem>> -> memref<1x128x128xf32, #tpu.memory_space<vmem>>
      %dma_wait3A_444 = tpu.memref_squeeze %dma_wait3A_443 : memref<1x128x128xf32, #tpu.memory_space<vmem>> -> memref<128x128xf32, #tpu.memory_space<vmem>>
      tpu.wait_dma2 semaphore(%arg12 : memref<!tpu.dma_semaphore, #tpu.memory_space<semaphore_mem>>) src(%dma_wait3A_444 : memref<128x128xf32, #tpu.memory_space<vmem>>) dst(%dma_wait3A_440 : memref<128x128xf32, #tpu.memory_space<hbm>>)
      %add3A_445 = arith.constant 2 : i32
      %add3A_446 = arith.addi %add3A_399, %add3A_445 : i32
      %dma_start3A_447 = arith.constant 1 : i32
      %dma_start3A_448 = arith.constant 0 : i32
      %dma_start3A_449 = arith.constant 0 : i32
      %dma_start3A_450 = tpu.memref_slice %arg6[%dma_start3A_447, %dma_start3A_448, %dma_start3A_449] : memref<4x128x128xf32, #tpu.memory_space<vmem>> -> memref<1x128x128xf32, #tpu.memory_space<vmem>>
      %dma_start3A_451 = tpu.memref_squeeze %dma_start3A_450 : memref<1x128x128xf32, #tpu.memory_space<vmem>> -> memref<128x128xf32, #tpu.memory_space<vmem>>
      %dma_start3A_452 = arith.constant 0 : i32
      %dma_start3A_453 = tpu.memref_slice %arg5[%add3A_446, %dma_start3A_452] : memref<50x128xi32, #tpu.memory_space<vmem>> -> memref<1x128xi32, #tpu.memory_space<vmem>>
      %dma_start3A_454 = tpu.memref_squeeze %dma_start3A_453 : memref<1x128xi32, #tpu.memory_space<vmem>> -> memref<128xi32, #tpu.memory_space<vmem>>
      %dma_start3A_455 = arith.constant 0 : i32
      %dma_start3A_456 = arith.constant 0 : i32
      %dma_start3A_457 = tpu.memref_slice %arg3[%dma_start3A_455, %dma_start3A_456] : memref<100000x128xf32, #tpu.memory_space<hbm>> -> memref<100000x128xf32, #tpu.memory_space<hbm>>
      tpu.enqueue_indirect_dma source(%dma_start3A_457 : memref<100000x128xf32, #tpu.memory_space<hbm>>) target(%dma_start3A_451 : memref<128x128xf32, #tpu.memory_space<vmem>>) offsets(%dma_start3A_454 : memref<128xi32, #tpu.memory_space<vmem>>) semaphore(%arg8 : memref<!tpu.dma_semaphore, #tpu.memory_space<semaphore_mem>>)
      %mul3A_458 = arith.constant 4 : i32
      %mul3A_459 = arith.muli %mul3A_458, %scan3A_330 : i32
      %add3A_460 = arith.constant 2 : i32
      %add3A_461 = arith.addi %mul3A_459, %add3A_460 : i32
      %add3A_462 = arith.constant 2 : i32
      %add3A_463 = arith.addi %add3A_461, %add3A_462 : i32
      %dma_wait3A_464 = arith.constant 0 : i32
      %dma_wait3A_465 = arith.constant 0 : i32
      %dma_wait3A_466 = arith.constant 0 : i32
      %dma_wait3A_467 = tpu.memref_slice %arg6[%dma_wait3A_464, %dma_wait3A_465, %dma_wait3A_466] : memref<4x128x128xf32, #tpu.memory_space<vmem>> -> memref<1x128x128xf32, #tpu.memory_space<vmem>>
      %dma_wait3A_468 = tpu.memref_squeeze %dma_wait3A_467 : memref<1x128x128xf32, #tpu.memory_space<vmem>> -> memref<128x128xf32, #tpu.memory_space<vmem>>
      %dma_wait3A_469 = arith.constant 0 : i32
      %dma_wait3A_470 = tpu.memref_slice %arg5[%add3A_463, %dma_wait3A_469] : memref<50x128xi32, #tpu.memory_space<vmem>> -> memref<1x128xi32, #tpu.memory_space<vmem>>
      %dma_wait3A_471 = tpu.memref_squeeze %dma_wait3A_470 : memref<1x128xi32, #tpu.memory_space<vmem>> -> memref<128xi32, #tpu.memory_space<vmem>>
      %dma_wait3A_472 = arith.constant 0 : i32
      %dma_wait3A_473 = arith.constant 0 : i32
      %dma_wait3A_474 = tpu.memref_slice %arg3[%dma_wait3A_472, %dma_wait3A_473] : memref<100000x128xf32, #tpu.memory_space<hbm>> -> memref<100000x128xf32, #tpu.memory_space<hbm>>
      tpu.wait_indirect_dma semaphore(%arg7 : memref<!tpu.dma_semaphore, #tpu.memory_space<semaphore_mem>>) src(%dma_wait3A_474 : memref<100000x128xf32, #tpu.memory_space<hbm>>) dst(%dma_wait3A_468 : memref<128x128xf32, #tpu.memory_space<vmem>>)
      %mul3A_475 = arith.constant 4096 : i32
      %mul3A_476 = arith.muli %add3A_463, %mul3A_475 : i32
      %add3A_477 = arith.addi %mul3A_476, %mul3A_2 : i32
      %dma_start3A_478 = arith.constant 0 : i32
      %dma_start3A_479 = arith.constant 0 : i32
      %dma_start3A_480 = arith.constant 0 : i32
      %dma_start3A_481 = tpu.memref_slice %arg6[%dma_start3A_478, %dma_start3A_479, %dma_start3A_480] : memref<4x128x128xf32, #tpu.memory_space<vmem>> -> memref<1x128x128xf32, #tpu.memory_space<vmem>>
      %dma_start3A_482 = tpu.memref_squeeze %dma_start3A_481 : memref<1x128x128xf32, #tpu.memory_space<vmem>> -> memref<128x128xf32, #tpu.memory_space<vmem>>
      %dma_start3A_483 = arith.constant 0 : i32
      %dma_start3A_484 = tpu.memref_slice %arg4[%add3A_477, %dma_start3A_483] : memref<204800x128xf32, #tpu.memory_space<hbm>> -> memref<128x128xf32, #tpu.memory_space<hbm>>
      %dma_start3A_485 = arith.constant 0 : i32
      %dma_start3A_486 = tpu.memref_slice %arg4[%add3A_477, %dma_start3A_485] : memref<204800x128xf32, #tpu.memory_space<hbm>> -> memref<128x128xf32, #tpu.memory_space<hbm>>
      %dma_start3A_487 = arith.constant 0 : i32
      %dma_start3A_488 = arith.constant 0 : i32
      %dma_start3A_489 = tpu.memref_slice %arg6[%dma_start3A_478, %dma_start3A_487, %dma_start3A_488] : memref<4x128x128xf32, #tpu.memory_space<vmem>> -> memref<1x128x128xf32, #tpu.memory_space<vmem>>
      %dma_start3A_490 = tpu.memref_squeeze %dma_start3A_489 : memref<1x128x128xf32, #tpu.memory_space<vmem>> -> memref<128x128xf32, #tpu.memory_space<vmem>>
      tpu.enqueue_dma source(%dma_start3A_490 : memref<128x128xf32, #tpu.memory_space<vmem>>) target(%dma_start3A_486 : memref<128x128xf32, #tpu.memory_space<hbm>>) target_semaphore(%arg11 : memref<!tpu.dma_semaphore, #tpu.memory_space<semaphore_mem>>)
      %sub3A_491 = arith.constant 2 : i32
      %sub3A_492 = arith.subi %add3A_463, %sub3A_491 : i32
      %mul3A_493 = arith.constant 4096 : i32
      %mul3A_494 = arith.muli %sub3A_492, %mul3A_493 : i32
      %add3A_495 = arith.addi %mul3A_494, %mul3A_2 : i32
      %dma_wait3A_496 = arith.constant 2 : i32
      %dma_wait3A_497 = arith.constant 0 : i32
      %dma_wait3A_498 = arith.constant 0 : i32
      %dma_wait3A_499 = tpu.memref_slice %arg6[%dma_wait3A_496, %dma_wait3A_497, %dma_wait3A_498] : memref<4x128x128xf32, #tpu.memory_space<vmem>> -> memref<1x128x128xf32, #tpu.memory_space<vmem>>
      %dma_wait3A_500 = tpu.memref_squeeze %dma_wait3A_499 : memref<1x128x128xf32, #tpu.memory_space<vmem>> -> memref<128x128xf32, #tpu.memory_space<vmem>>
      %dma_wait3A_501 = arith.constant 0 : i32
      %dma_wait3A_502 = tpu.memref_slice %arg4[%add3A_495, %dma_wait3A_501] : memref<204800x128xf32, #tpu.memory_space<hbm>> -> memref<128x128xf32, #tpu.memory_space<hbm>>
      %dma_wait3A_503 = arith.constant 0 : i32
      %dma_wait3A_504 = tpu.memref_slice %arg4[%add3A_495, %dma_wait3A_503] : memref<204800x128xf32, #tpu.memory_space<hbm>> -> memref<128x128xf32, #tpu.memory_space<hbm>>
      %dma_wait3A_505 = arith.constant 0 : i32
      %dma_wait3A_506 = arith.constant 0 : i32
      %dma_wait3A_507 = tpu.memref_slice %arg6[%dma_wait3A_496, %dma_wait3A_505, %dma_wait3A_506] : memref<4x128x128xf32, #tpu.memory_space<vmem>> -> memref<1x128x128xf32, #tpu.memory_space<vmem>>
      %dma_wait3A_508 = tpu.memref_squeeze %dma_wait3A_507 : memref<1x128x128xf32, #tpu.memory_space<vmem>> -> memref<128x128xf32, #tpu.memory_space<vmem>>
      tpu.wait_dma2 semaphore(%arg13 : memref<!tpu.dma_semaphore, #tpu.memory_space<semaphore_mem>>) src(%dma_wait3A_508 : memref<128x128xf32, #tpu.memory_space<vmem>>) dst(%dma_wait3A_504 : memref<128x128xf32, #tpu.memory_space<hbm>>)
      %add3A_509 = arith.constant 2 : i32
      %add3A_510 = arith.addi %add3A_463, %add3A_509 : i32
      %dma_start3A_511 = arith.constant 2 : i32
      %dma_start3A_512 = arith.constant 0 : i32
      %dma_start3A_513 = arith.constant 0 : i32
      %dma_start3A_514 = tpu.memref_slice %arg6[%dma_start3A_511, %dma_start3A_512, %dma_start3A_513] : memref<4x128x128xf32, #tpu.memory_space<vmem>> -> memref<1x128x128xf32, #tpu.memory_space<vmem>>
      %dma_start3A_515 = tpu.memref_squeeze %dma_start3A_514 : memref<1x128x128xf32, #tpu.memory_space<vmem>> -> memref<128x128xf32, #tpu.memory_space<vmem>>
      %dma_start3A_516 = arith.constant 0 : i32
      %dma_start3A_517 = tpu.memref_slice %arg5[%add3A_510, %dma_start3A_516] : memref<50x128xi32, #tpu.memory_space<vmem>> -> memref<1x128xi32, #tpu.memory_space<vmem>>
      %dma_start3A_518 = tpu.memref_squeeze %dma_start3A_517 : memref<1x128xi32, #tpu.memory_space<vmem>> -> memref<128xi32, #tpu.memory_space<vmem>>
      %dma_start3A_519 = arith.constant 0 : i32
      %dma_start3A_520 = arith.constant 0 : i32
      %dma_start3A_521 = tpu.memref_slice %arg3[%dma_start3A_519, %dma_start3A_520] : memref<100000x128xf32, #tpu.memory_space<hbm>> -> memref<100000x128xf32, #tpu.memory_space<hbm>>
      tpu.enqueue_indirect_dma source(%dma_start3A_521 : memref<100000x128xf32, #tpu.memory_space<hbm>>) target(%dma_start3A_515 : memref<128x128xf32, #tpu.memory_space<vmem>>) offsets(%dma_start3A_518 : memref<128xi32, #tpu.memory_space<vmem>>) semaphore(%arg9 : memref<!tpu.dma_semaphore, #tpu.memory_space<semaphore_mem>>)
      %mul3A_522 = arith.constant 4 : i32
      %mul3A_523 = arith.muli %mul3A_522, %scan3A_330 : i32
      %add3A_524 = arith.constant 2 : i32
      %add3A_525 = arith.addi %mul3A_523, %add3A_524 : i32
      %add3A_526 = arith.constant 3 : i32
      %add3A_527 = arith.addi %add3A_525, %add3A_526 : i32
      %dma_wait3A_528 = arith.constant 1 : i32
      %dma_wait3A_529 = arith.constant 0 : i32
      %dma_wait3A_530 = arith.constant 0 : i32
      %dma_wait3A_531 = tpu.memref_slice %arg6[%dma_wait3A_528, %dma_wait3A_529, %dma_wait3A_530] : memref<4x128x128xf32, #tpu.memory_space<vmem>> -> memref<1x128x128xf32, #tpu.memory_space<vmem>>
      %dma_wait3A_532 = tpu.memref_squeeze %dma_wait3A_531 : memref<1x128x128xf32, #tpu.memory_space<vmem>> -> memref<128x128xf32, #tpu.memory_space<vmem>>
      %dma_wait3A_533 = arith.constant 0 : i32
      %dma_wait3A_534 = tpu.memref_slice %arg5[%add3A_527, %dma_wait3A_533] : memref<50x128xi32, #tpu.memory_space<vmem>> -> memref<1x128xi32, #tpu.memory_space<vmem>>
      %dma_wait3A_535 = tpu.memref_squeeze %dma_wait3A_534 : memref<1x128xi32, #tpu.memory_space<vmem>> -> memref<128xi32, #tpu.memory_space<vmem>>
      %dma_wait3A_536 = arith.constant 0 : i32
      %dma_wait3A_537 = arith.constant 0 : i32
      %dma_wait3A_538 = tpu.memref_slice %arg3[%dma_wait3A_536, %dma_wait3A_537] : memref<100000x128xf32, #tpu.memory_space<hbm>> -> memref<100000x128xf32, #tpu.memory_space<hbm>>
      tpu.wait_indirect_dma semaphore(%arg8 : memref<!tpu.dma_semaphore, #tpu.memory_space<semaphore_mem>>) src(%dma_wait3A_538 : memref<100000x128xf32, #tpu.memory_space<hbm>>) dst(%dma_wait3A_532 : memref<128x128xf32, #tpu.memory_space<vmem>>)
      %mul3A_539 = arith.constant 4096 : i32
      %mul3A_540 = arith.muli %add3A_527, %mul3A_539 : i32
      %add3A_541 = arith.addi %mul3A_540, %mul3A_2 : i32
      %dma_start3A_542 = arith.constant 1 : i32
      %dma_start3A_543 = arith.constant 0 : i32
      %dma_start3A_544 = arith.constant 0 : i32
      %dma_start3A_545 = tpu.memref_slice %arg6[%dma_start3A_542, %dma_start3A_543, %dma_start3A_544] : memref<4x128x128xf32, #tpu.memory_space<vmem>> -> memref<1x128x128xf32, #tpu.memory_space<vmem>>
      %dma_start3A_546 = tpu.memref_squeeze %dma_start3A_545 : memref<1x128x128xf32, #tpu.memory_space<vmem>> -> memref<128x128xf32, #tpu.memory_space<vmem>>
      %dma_start3A_547 = arith.constant 0 : i32
      %dma_start3A_548 = tpu.memref_slice %arg4[%add3A_541, %dma_start3A_547] : memref<204800x128xf32, #tpu.memory_space<hbm>> -> memref<128x128xf32, #tpu.memory_space<hbm>>
      %dma_start3A_549 = arith.constant 0 : i32
      %dma_start3A_550 = tpu.memref_slice %arg4[%add3A_541, %dma_start3A_549] : memref<204800x128xf32, #tpu.memory_space<hbm>> -> memref<128x128xf32, #tpu.memory_space<hbm>>
      %dma_start3A_551 = arith.constant 0 : i32
      %dma_start3A_552 = arith.constant 0 : i32
      %dma_start3A_553 = tpu.memref_slice %arg6[%dma_start3A_542, %dma_start3A_551, %dma_start3A_552] : memref<4x128x128xf32, #tpu.memory_space<vmem>> -> memref<1x128x128xf32, #tpu.memory_space<vmem>>
      %dma_start3A_554 = tpu.memref_squeeze %dma_start3A_553 : memref<1x128x128xf32, #tpu.memory_space<vmem>> -> memref<128x128xf32, #tpu.memory_space<vmem>>
      tpu.enqueue_dma source(%dma_start3A_554 : memref<128x128xf32, #tpu.memory_space<vmem>>) target(%dma_start3A_550 : memref<128x128xf32, #tpu.memory_space<hbm>>) target_semaphore(%arg12 : memref<!tpu.dma_semaphore, #tpu.memory_space<semaphore_mem>>)
      %sub3A_555 = arith.constant 2 : i32
      %sub3A_556 = arith.subi %add3A_527, %sub3A_555 : i32
      %mul3A_557 = arith.constant 4096 : i32
      %mul3A_558 = arith.muli %sub3A_556, %mul3A_557 : i32
      %add3A_559 = arith.addi %mul3A_558, %mul3A_2 : i32
      %dma_wait3A_560 = arith.constant 3 : i32
      %dma_wait3A_561 = arith.constant 0 : i32
      %dma_wait3A_562 = arith.constant 0 : i32
      %dma_wait3A_563 = tpu.memref_slice %arg6[%dma_wait3A_560, %dma_wait3A_561, %dma_wait3A_562] : memref<4x128x128xf32, #tpu.memory_space<vmem>> -> memref<1x128x128xf32, #tpu.memory_space<vmem>>
      %dma_wait3A_564 = tpu.memref_squeeze %dma_wait3A_563 : memref<1x128x128xf32, #tpu.memory_space<vmem>> -> memref<128x128xf32, #tpu.memory_space<vmem>>
      %dma_wait3A_565 = arith.constant 0 : i32
      %dma_wait3A_566 = tpu.memref_slice %arg4[%add3A_559, %dma_wait3A_565] : memref<204800x128xf32, #tpu.memory_space<hbm>> -> memref<128x128xf32, #tpu.memory_space<hbm>>
      %dma_wait3A_567 = arith.constant 0 : i32
      %dma_wait3A_568 = tpu.memref_slice %arg4[%add3A_559, %dma_wait3A_567] : memref<204800x128xf32, #tpu.memory_space<hbm>> -> memref<128x128xf32, #tpu.memory_space<hbm>>
      %dma_wait3A_569 = arith.constant 0 : i32
      %dma_wait3A_570 = arith.constant 0 : i32
      %dma_wait3A_571 = tpu.memref_slice %arg6[%dma_wait3A_560, %dma_wait3A_569, %dma_wait3A_570] : memref<4x128x128xf32, #tpu.memory_space<vmem>> -> memref<1x128x128xf32, #tpu.memory_space<vmem>>
      %dma_wait3A_572 = tpu.memref_squeeze %dma_wait3A_571 : memref<1x128x128xf32, #tpu.memory_space<vmem>> -> memref<128x128xf32, #tpu.memory_space<vmem>>
      tpu.wait_dma2 semaphore(%arg14 : memref<!tpu.dma_semaphore, #tpu.memory_space<semaphore_mem>>) src(%dma_wait3A_572 : memref<128x128xf32, #tpu.memory_space<vmem>>) dst(%dma_wait3A_568 : memref<128x128xf32, #tpu.memory_space<hbm>>)
      %add3A_573 = arith.constant 2 : i32
      %add3A_574 = arith.addi %add3A_527, %add3A_573 : i32
      %dma_start3A_575 = arith.constant 3 : i32
      %dma_start3A_576 = arith.constant 0 : i32
      %dma_start3A_577 = arith.constant 0 : i32
      %dma_start3A_578 = tpu.memref_slice %arg6[%dma_start3A_575, %dma_start3A_576, %dma_start3A_577] : memref<4x128x128xf32, #tpu.memory_space<vmem>> -> memref<1x128x128xf32, #tpu.memory_space<vmem>>
      %dma_start3A_579 = tpu.memref_squeeze %dma_start3A_578 : memref<1x128x128xf32, #tpu.memory_space<vmem>> -> memref<128x128xf32, #tpu.memory_space<vmem>>
      %dma_start3A_580 = arith.constant 0 : i32
      %dma_start3A_581 = tpu.memref_slice %arg5[%add3A_574, %dma_start3A_580] : memref<50x128xi32, #tpu.memory_space<vmem>> -> memref<1x128xi32, #tpu.memory_space<vmem>>
      %dma_start3A_582 = tpu.memref_squeeze %dma_start3A_581 : memref<1x128xi32, #tpu.memory_space<vmem>> -> memref<128xi32, #tpu.memory_space<vmem>>
      %dma_start3A_583 = arith.constant 0 : i32
      %dma_start3A_584 = arith.constant 0 : i32
      %dma_start3A_585 = tpu.memref_slice %arg3[%dma_start3A_583, %dma_start3A_584] : memref<100000x128xf32, #tpu.memory_space<hbm>> -> memref<100000x128xf32, #tpu.memory_space<hbm>>
      tpu.enqueue_indirect_dma source(%dma_start3A_585 : memref<100000x128xf32, #tpu.memory_space<hbm>>) target(%dma_start3A_579 : memref<128x128xf32, #tpu.memory_space<vmem>>) offsets(%dma_start3A_582 : memref<128xi32, #tpu.memory_space<vmem>>) semaphore(%arg10 : memref<!tpu.dma_semaphore, #tpu.memory_space<semaphore_mem>>)
    }
    %scan3A_107 = arith.constant 11 : i32
    %dma_wait3A_108 = arith.constant 46 : i32
    %dma_wait3A_109 = arith.constant 2 : i32
    %dma_wait3A_110 = arith.constant 0 : i32
    %dma_wait3A_111 = arith.constant 0 : i32
    %dma_wait3A_112 = tpu.memref_slice %arg6[%dma_wait3A_109, %dma_wait3A_110, %dma_wait3A_111] : memref<4x128x128xf32, #tpu.memory_space<vmem>> -> memref<1x128x128xf32, #tpu.memory_space<vmem>>
    %dma_wait3A_113 = tpu.memref_squeeze %dma_wait3A_112 : memref<1x128x128xf32, #tpu.memory_space<vmem>> -> memref<128x128xf32, #tpu.memory_space<vmem>>
    %dma_wait3A_114 = arith.constant 0 : i32
    %dma_wait3A_115 = tpu.memref_slice %arg5[%dma_wait3A_108, %dma_wait3A_114] : memref<50x128xi32, #tpu.memory_space<vmem>> -> memref<1x128xi32, #tpu.memory_space<vmem>>
    %dma_wait3A_116 = tpu.memref_squeeze %dma_wait3A_115 : memref<1x128xi32, #tpu.memory_space<vmem>> -> memref<128xi32, #tpu.memory_space<vmem>>
    %dma_wait3A_117 = arith.constant 0 : i32
    %dma_wait3A_118 = arith.constant 0 : i32
    %dma_wait3A_119 = tpu.memref_slice %arg3[%dma_wait3A_117, %dma_wait3A_118] : memref<100000x128xf32, #tpu.memory_space<hbm>> -> memref<100000x128xf32, #tpu.memory_space<hbm>>
    tpu.wait_indirect_dma semaphore(%arg9 : memref<!tpu.dma_semaphore, #tpu.memory_space<semaphore_mem>>) src(%dma_wait3A_119 : memref<100000x128xf32, #tpu.memory_space<hbm>>) dst(%dma_wait3A_113 : memref<128x128xf32, #tpu.memory_space<vmem>>)
    %add3A_120 = arith.constant 188416 : i32
    %add3A_121 = arith.addi %add3A_120, %mul3A_2 : i32
    %dma_start3A_122 = arith.constant 2 : i32
    %dma_start3A_123 = arith.constant 0 : i32
    %dma_start3A_124 = arith.constant 0 : i32
    %dma_start3A_125 = tpu.memref_slice %arg6[%dma_start3A_122, %dma_start3A_123, %dma_start3A_124] : memref<4x128x128xf32, #tpu.memory_space<vmem>> -> memref<1x128x128xf32, #tpu.memory_space<vmem>>
    %dma_start3A_126 = tpu.memref_squeeze %dma_start3A_125 : memref<1x128x128xf32, #tpu.memory_space<vmem>> -> memref<128x128xf32, #tpu.memory_space<vmem>>
    %dma_start3A_127 = arith.constant 0 : i32
    %dma_start3A_128 = tpu.memref_slice %arg4[%add3A_121, %dma_start3A_127] : memref<204800x128xf32, #tpu.memory_space<hbm>> -> memref<128x128xf32, #tpu.memory_space<hbm>>
    %dma_start3A_129 = arith.constant 0 : i32
    %dma_start3A_130 = tpu.memref_slice %arg4[%add3A_121, %dma_start3A_129] : memref<204800x128xf32, #tpu.memory_space<hbm>> -> memref<128x128xf32, #tpu.memory_space<hbm>>
    %dma_start3A_131 = arith.constant 0 : i32
    %dma_start3A_132 = arith.constant 0 : i32
    %dma_start3A_133 = tpu.memref_slice %arg6[%dma_start3A_122, %dma_start3A_131, %dma_start3A_132] : memref<4x128x128xf32, #tpu.memory_space<vmem>> -> memref<1x128x128xf32, #tpu.memory_space<vmem>>
    %dma_start3A_134 = tpu.memref_squeeze %dma_start3A_133 : memref<1x128x128xf32, #tpu.memory_space<vmem>> -> memref<128x128xf32, #tpu.memory_space<vmem>>
    tpu.enqueue_dma source(%dma_start3A_134 : memref<128x128xf32, #tpu.memory_space<vmem>>) target(%dma_start3A_130 : memref<128x128xf32, #tpu.memory_space<hbm>>) target_semaphore(%arg13 : memref<!tpu.dma_semaphore, #tpu.memory_space<semaphore_mem>>)
    %add3A_135 = arith.constant 180224 : i32
    %add3A_136 = arith.addi %add3A_135, %mul3A_2 : i32
    %dma_wait3A_137 = arith.constant 0 : i32
    %dma_wait3A_138 = arith.constant 0 : i32
    %dma_wait3A_139 = arith.constant 0 : i32
    %dma_wait3A_140 = tpu.memref_slice %arg6[%dma_wait3A_137, %dma_wait3A_138, %dma_wait3A_139] : memref<4x128x128xf32, #tpu.memory_space<vmem>> -> memref<1x128x128xf32, #tpu.memory_space<vmem>>
    %dma_wait3A_141 = tpu.memref_squeeze %dma_wait3A_140 : memref<1x128x128xf32, #tpu.memory_space<vmem>> -> memref<128x128xf32, #tpu.memory_space<vmem>>
    %dma_wait3A_142 = arith.constant 0 : i32
    %dma_wait3A_143 = tpu.memref_slice %arg4[%add3A_136, %dma_wait3A_142] : memref<204800x128xf32, #tpu.memory_space<hbm>> -> memref<128x128xf32, #tpu.memory_space<hbm>>
    %dma_wait3A_144 = arith.constant 0 : i32
    %dma_wait3A_145 = tpu.memref_slice %arg4[%add3A_136, %dma_wait3A_144] : memref<204800x128xf32, #tpu.memory_space<hbm>> -> memref<128x128xf32, #tpu.memory_space<hbm>>
    %dma_wait3A_146 = arith.constant 0 : i32
    %dma_wait3A_147 = arith.constant 0 : i32
    %dma_wait3A_148 = tpu.memref_slice %arg6[%dma_wait3A_137, %dma_wait3A_146, %dma_wait3A_147] : memref<4x128x128xf32, #tpu.memory_space<vmem>> -> memref<1x128x128xf32, #tpu.memory_space<vmem>>
    %dma_wait3A_149 = tpu.memref_squeeze %dma_wait3A_148 : memref<1x128x128xf32, #tpu.memory_space<vmem>> -> memref<128x128xf32, #tpu.memory_space<vmem>>
    tpu.wait_dma2 semaphore(%arg11 : memref<!tpu.dma_semaphore, #tpu.memory_space<semaphore_mem>>) src(%dma_wait3A_149 : memref<128x128xf32, #tpu.memory_space<vmem>>) dst(%dma_wait3A_145 : memref<128x128xf32, #tpu.memory_space<hbm>>)
    %dma_start3A_150 = arith.constant 48 : i32
    %dma_start3A_151 = arith.constant 0 : i32
    %dma_start3A_152 = arith.constant 0 : i32
    %dma_start3A_153 = arith.constant 0 : i32
    %dma_start3A_154 = tpu.memref_slice %arg6[%dma_start3A_151, %dma_start3A_152, %dma_start3A_153] : memref<4x128x128xf32, #tpu.memory_space<vmem>> -> memref<1x128x128xf32, #tpu.memory_space<vmem>>
    %dma_start3A_155 = tpu.memref_squeeze %dma_start3A_154 : memref<1x128x128xf32, #tpu.memory_space<vmem>> -> memref<128x128xf32, #tpu.memory_space<vmem>>
    %dma_start3A_156 = arith.constant 0 : i32
    %dma_start3A_157 = tpu.memref_slice %arg5[%dma_start3A_150, %dma_start3A_156] : memref<50x128xi32, #tpu.memory_space<vmem>> -> memref<1x128xi32, #tpu.memory_space<vmem>>
    %dma_start3A_158 = tpu.memref_squeeze %dma_start3A_157 : memref<1x128xi32, #tpu.memory_space<vmem>> -> memref<128xi32, #tpu.memory_space<vmem>>
    %dma_start3A_159 = arith.constant 0 : i32
    %dma_start3A_160 = arith.constant 0 : i32
    %dma_start3A_161 = tpu.memref_slice %arg3[%dma_start3A_159, %dma_start3A_160] : memref<100000x128xf32, #tpu.memory_space<hbm>> -> memref<100000x128xf32, #tpu.memory_space<hbm>>
    tpu.enqueue_indirect_dma source(%dma_start3A_161 : memref<100000x128xf32, #tpu.memory_space<hbm>>) target(%dma_start3A_155 : memref<128x128xf32, #tpu.memory_space<vmem>>) offsets(%dma_start3A_158 : memref<128xi32, #tpu.memory_space<vmem>>) semaphore(%arg7 : memref<!tpu.dma_semaphore, #tpu.memory_space<semaphore_mem>>)
    %dma_wait3A_162 = arith.constant 47 : i32
    %dma_wait3A_163 = arith.constant 3 : i32
    %dma_wait3A_164 = arith.constant 0 : i32
    %dma_wait3A_165 = arith.constant 0 : i32
    %dma_wait3A_166 = tpu.memref_slice %arg6[%dma_wait3A_163, %dma_wait3A_164, %dma_wait3A_165] : memref<4x128x128xf32, #tpu.memory_space<vmem>> -> memref<1x128x128xf32, #tpu.memory_space<vmem>>
    %dma_wait3A_167 = tpu.memref_squeeze %dma_wait3A_166 : memref<1x128x128xf32, #tpu.memory_space<vmem>> -> memref<128x128xf32, #tpu.memory_space<vmem>>
    %dma_wait3A_168 = arith.constant 0 : i32
    %dma_wait3A_169 = tpu.memref_slice %arg5[%dma_wait3A_162, %dma_wait3A_168] : memref<50x128xi32, #tpu.memory_space<vmem>> -> memref<1x128xi32, #tpu.memory_space<vmem>>
    %dma_wait3A_170 = tpu.memref_squeeze %dma_wait3A_169 : memref<1x128xi32, #tpu.memory_space<vmem>> -> memref<128xi32, #tpu.memory_space<vmem>>
    %dma_wait3A_171 = arith.constant 0 : i32
    %dma_wait3A_172 = arith.constant 0 : i32
    %dma_wait3A_173 = tpu.memref_slice %arg3[%dma_wait3A_171, %dma_wait3A_172] : memref<100000x128xf32, #tpu.memory_space<hbm>> -> memref<100000x128xf32, #tpu.memory_space<hbm>>
    tpu.wait_indirect_dma semaphore(%arg10 : memref<!tpu.dma_semaphore, #tpu.memory_space<semaphore_mem>>) src(%dma_wait3A_173 : memref<100000x128xf32, #tpu.memory_space<hbm>>) dst(%dma_wait3A_167 : memref<128x128xf32, #tpu.memory_space<vmem>>)
    %add3A_174 = arith.constant 192512 : i32
    %add3A_175 = arith.addi %add3A_174, %mul3A_2 : i32
    %dma_start3A_176 = arith.constant 3 : i32
    %dma_start3A_177 = arith.constant 0 : i32
    %dma_start3A_178 = arith.constant 0 : i32
    %dma_start3A_179 = tpu.memref_slice %arg6[%dma_start3A_176, %dma_start3A_177, %dma_start3A_178] : memref<4x128x128xf32, #tpu.memory_space<vmem>> -> memref<1x128x128xf32, #tpu.memory_space<vmem>>
    %dma_start3A_180 = tpu.memref_squeeze %dma_start3A_179 : memref<1x128x128xf32, #tpu.memory_space<vmem>> -> memref<128x128xf32, #tpu.memory_space<vmem>>
    %dma_start3A_181 = arith.constant 0 : i32
    %dma_start3A_182 = tpu.memref_slice %arg4[%add3A_175, %dma_start3A_181] : memref<204800x128xf32, #tpu.memory_space<hbm>> -> memref<128x128xf32, #tpu.memory_space<hbm>>
    %dma_start3A_183 = arith.constant 0 : i32
    %dma_start3A_184 = tpu.memref_slice %arg4[%add3A_175, %dma_start3A_183] : memref<204800x128xf32, #tpu.memory_space<hbm>> -> memref<128x128xf32, #tpu.memory_space<hbm>>
    %dma_start3A_185 = arith.constant 0 : i32
    %dma_start3A_186 = arith.constant 0 : i32
    %dma_start3A_187 = tpu.memref_slice %arg6[%dma_start3A_176, %dma_start3A_185, %dma_start3A_186] : memref<4x128x128xf32, #tpu.memory_space<vmem>> -> memref<1x128x128xf32, #tpu.memory_space<vmem>>
    %dma_start3A_188 = tpu.memref_squeeze %dma_start3A_187 : memref<1x128x128xf32, #tpu.memory_space<vmem>> -> memref<128x128xf32, #tpu.memory_space<vmem>>
    tpu.enqueue_dma source(%dma_start3A_188 : memref<128x128xf32, #tpu.memory_space<vmem>>) target(%dma_start3A_184 : memref<128x128xf32, #tpu.memory_space<hbm>>) target_semaphore(%arg14 : memref<!tpu.dma_semaphore, #tpu.memory_space<semaphore_mem>>)
    %add3A_189 = arith.constant 184320 : i32
    %add3A_190 = arith.addi %add3A_189, %mul3A_2 : i32
    %dma_wait3A_191 = arith.constant 1 : i32
    %dma_wait3A_192 = arith.constant 0 : i32
    %dma_wait3A_193 = arith.constant 0 : i32
    %dma_wait3A_194 = tpu.memref_slice %arg6[%dma_wait3A_191, %dma_wait3A_192, %dma_wait3A_193] : memref<4x128x128xf32, #tpu.memory_space<vmem>> -> memref<1x128x128xf32, #tpu.memory_space<vmem>>
    %dma_wait3A_195 = tpu.memref_squeeze %dma_wait3A_194 : memref<1x128x128xf32, #tpu.memory_space<vmem>> -> memref<128x128xf32, #tpu.memory_space<vmem>>
    %dma_wait3A_196 = arith.constant 0 : i32
    %dma_wait3A_197 = tpu.memref_slice %arg4[%add3A_190, %dma_wait3A_196] : memref<204800x128xf32, #tpu.memory_space<hbm>> -> memref<128x128xf32, #tpu.memory_space<hbm>>
    %dma_wait3A_198 = arith.constant 0 : i32
    %dma_wait3A_199 = tpu.memref_slice %arg4[%add3A_190, %dma_wait3A_198] : memref<204800x128xf32, #tpu.memory_space<hbm>> -> memref<128x128xf32, #tpu.memory_space<hbm>>
    %dma_wait3A_200 = arith.constant 0 : i32
    %dma_wait3A_201 = arith.constant 0 : i32
    %dma_wait3A_202 = tpu.memref_slice %arg6[%dma_wait3A_191, %dma_wait3A_200, %dma_wait3A_201] : memref<4x128x128xf32, #tpu.memory_space<vmem>> -> memref<1x128x128xf32, #tpu.memory_space<vmem>>
    %dma_wait3A_203 = tpu.memref_squeeze %dma_wait3A_202 : memref<1x128x128xf32, #tpu.memory_space<vmem>> -> memref<128x128xf32, #tpu.memory_space<vmem>>
    tpu.wait_dma2 semaphore(%arg12 : memref<!tpu.dma_semaphore, #tpu.memory_space<semaphore_mem>>) src(%dma_wait3A_203 : memref<128x128xf32, #tpu.memory_space<vmem>>) dst(%dma_wait3A_199 : memref<128x128xf32, #tpu.memory_space<hbm>>)
    %dma_start3A_204 = arith.constant 49 : i32
    %dma_start3A_205 = arith.constant 1 : i32
    %dma_start3A_206 = arith.constant 0 : i32
    %dma_start3A_207 = arith.constant 0 : i32
    %dma_start3A_208 = tpu.memref_slice %arg6[%dma_start3A_205, %dma_start3A_206, %dma_start3A_207] : memref<4x128x128xf32, #tpu.memory_space<vmem>> -> memref<1x128x128xf32, #tpu.memory_space<vmem>>
    %dma_start3A_209 = tpu.memref_squeeze %dma_start3A_208 : memref<1x128x128xf32, #tpu.memory_space<vmem>> -> memref<128x128xf32, #tpu.memory_space<vmem>>
    %dma_start3A_210 = arith.constant 0 : i32
    %dma_start3A_211 = tpu.memref_slice %arg5[%dma_start3A_204, %dma_start3A_210] : memref<50x128xi32, #tpu.memory_space<vmem>> -> memref<1x128xi32, #tpu.memory_space<vmem>>
    %dma_start3A_212 = tpu.memref_squeeze %dma_start3A_211 : memref<1x128xi32, #tpu.memory_space<vmem>> -> memref<128xi32, #tpu.memory_space<vmem>>
    %dma_start3A_213 = arith.constant 0 : i32
    %dma_start3A_214 = arith.constant 0 : i32
    %dma_start3A_215 = tpu.memref_slice %arg3[%dma_start3A_213, %dma_start3A_214] : memref<100000x128xf32, #tpu.memory_space<hbm>> -> memref<100000x128xf32, #tpu.memory_space<hbm>>
    tpu.enqueue_indirect_dma source(%dma_start3A_215 : memref<100000x128xf32, #tpu.memory_space<hbm>>) target(%dma_start3A_209 : memref<128x128xf32, #tpu.memory_space<vmem>>) offsets(%dma_start3A_212 : memref<128xi32, #tpu.memory_space<vmem>>) semaphore(%arg8 : memref<!tpu.dma_semaphore, #tpu.memory_space<semaphore_mem>>)
    %dma_wait3A_216 = arith.constant 48 : i32
    %dma_wait3A_217 = arith.constant 0 : i32
    %dma_wait3A_218 = arith.constant 0 : i32
    %dma_wait3A_219 = arith.constant 0 : i32
    %dma_wait3A_220 = tpu.memref_slice %arg6[%dma_wait3A_217, %dma_wait3A_218, %dma_wait3A_219] : memref<4x128x128xf32, #tpu.memory_space<vmem>> -> memref<1x128x128xf32, #tpu.memory_space<vmem>>
    %dma_wait3A_221 = tpu.memref_squeeze %dma_wait3A_220 : memref<1x128x128xf32, #tpu.memory_space<vmem>> -> memref<128x128xf32, #tpu.memory_space<vmem>>
    %dma_wait3A_222 = arith.constant 0 : i32
    %dma_wait3A_223 = tpu.memref_slice %arg5[%dma_wait3A_216, %dma_wait3A_222] : memref<50x128xi32, #tpu.memory_space<vmem>> -> memref<1x128xi32, #tpu.memory_space<vmem>>
    %dma_wait3A_224 = tpu.memref_squeeze %dma_wait3A_223 : memref<1x128xi32, #tpu.memory_space<vmem>> -> memref<128xi32, #tpu.memory_space<vmem>>
    %dma_wait3A_225 = arith.constant 0 : i32
    %dma_wait3A_226 = arith.constant 0 : i32
    %dma_wait3A_227 = tpu.memref_slice %arg3[%dma_wait3A_225, %dma_wait3A_226] : memref<100000x128xf32, #tpu.memory_space<hbm>> -> memref<100000x128xf32, #tpu.memory_space<hbm>>
    tpu.wait_indirect_dma semaphore(%arg7 : memref<!tpu.dma_semaphore, #tpu.memory_space<semaphore_mem>>) src(%dma_wait3A_227 : memref<100000x128xf32, #tpu.memory_space<hbm>>) dst(%dma_wait3A_221 : memref<128x128xf32, #tpu.memory_space<vmem>>)
    %add3A_228 = arith.constant 196608 : i32
    %add3A_229 = arith.addi %add3A_228, %mul3A_2 : i32
    %dma_start3A_230 = arith.constant 0 : i32
    %dma_start3A_231 = arith.constant 0 : i32
    %dma_start3A_232 = arith.constant 0 : i32
    %dma_start3A_233 = tpu.memref_slice %arg6[%dma_start3A_230, %dma_start3A_231, %dma_start3A_232] : memref<4x128x128xf32, #tpu.memory_space<vmem>> -> memref<1x128x128xf32, #tpu.memory_space<vmem>>
    %dma_start3A_234 = tpu.memref_squeeze %dma_start3A_233 : memref<1x128x128xf32, #tpu.memory_space<vmem>> -> memref<128x128xf32, #tpu.memory_space<vmem>>
    %dma_start3A_235 = arith.constant 0 : i32
    %dma_start3A_236 = tpu.memref_slice %arg4[%add3A_229, %dma_start3A_235] : memref<204800x128xf32, #tpu.memory_space<hbm>> -> memref<128x128xf32, #tpu.memory_space<hbm>>
    %dma_start3A_237 = arith.constant 0 : i32
    %dma_start3A_238 = tpu.memref_slice %arg4[%add3A_229, %dma_start3A_237] : memref<204800x128xf32, #tpu.memory_space<hbm>> -> memref<128x128xf32, #tpu.memory_space<hbm>>
    %dma_start3A_239 = arith.constant 0 : i32
    %dma_start3A_240 = arith.constant 0 : i32
    %dma_start3A_241 = tpu.memref_slice %arg6[%dma_start3A_230, %dma_start3A_239, %dma_start3A_240] : memref<4x128x128xf32, #tpu.memory_space<vmem>> -> memref<1x128x128xf32, #tpu.memory_space<vmem>>
    %dma_start3A_242 = tpu.memref_squeeze %dma_start3A_241 : memref<1x128x128xf32, #tpu.memory_space<vmem>> -> memref<128x128xf32, #tpu.memory_space<vmem>>
    tpu.enqueue_dma source(%dma_start3A_242 : memref<128x128xf32, #tpu.memory_space<vmem>>) target(%dma_start3A_238 : memref<128x128xf32, #tpu.memory_space<hbm>>) target_semaphore(%arg11 : memref<!tpu.dma_semaphore, #tpu.memory_space<semaphore_mem>>)
    %dma_wait3A_243 = arith.constant 49 : i32
    %dma_wait3A_244 = arith.constant 1 : i32
    %dma_wait3A_245 = arith.constant 0 : i32
    %dma_wait3A_246 = arith.constant 0 : i32
    %dma_wait3A_247 = tpu.memref_slice %arg6[%dma_wait3A_244, %dma_wait3A_245, %dma_wait3A_246] : memref<4x128x128xf32, #tpu.memory_space<vmem>> -> memref<1x128x128xf32, #tpu.memory_space<vmem>>
    %dma_wait3A_248 = tpu.memref_squeeze %dma_wait3A_247 : memref<1x128x128xf32, #tpu.memory_space<vmem>> -> memref<128x128xf32, #tpu.memory_space<vmem>>
    %dma_wait3A_249 = arith.constant 0 : i32
    %dma_wait3A_250 = tpu.memref_slice %arg5[%dma_wait3A_243, %dma_wait3A_249] : memref<50x128xi32, #tpu.memory_space<vmem>> -> memref<1x128xi32, #tpu.memory_space<vmem>>
    %dma_wait3A_251 = tpu.memref_squeeze %dma_wait3A_250 : memref<1x128xi32, #tpu.memory_space<vmem>> -> memref<128xi32, #tpu.memory_space<vmem>>
    %dma_wait3A_252 = arith.constant 0 : i32
    %dma_wait3A_253 = arith.constant 0 : i32
    %dma_wait3A_254 = tpu.memref_slice %arg3[%dma_wait3A_252, %dma_wait3A_253] : memref<100000x128xf32, #tpu.memory_space<hbm>> -> memref<100000x128xf32, #tpu.memory_space<hbm>>
    tpu.wait_indirect_dma semaphore(%arg8 : memref<!tpu.dma_semaphore, #tpu.memory_space<semaphore_mem>>) src(%dma_wait3A_254 : memref<100000x128xf32, #tpu.memory_space<hbm>>) dst(%dma_wait3A_248 : memref<128x128xf32, #tpu.memory_space<vmem>>)
    %add3A_255 = arith.constant 200704 : i32
    %add3A_256 = arith.addi %add3A_255, %mul3A_2 : i32
    %dma_start3A_257 = arith.constant 1 : i32
    %dma_start3A_258 = arith.constant 0 : i32
    %dma_start3A_259 = arith.constant 0 : i32
    %dma_start3A_260 = tpu.memref_slice %arg6[%dma_start3A_257, %dma_start3A_258, %dma_start3A_259] : memref<4x128x128xf32, #tpu.memory_space<vmem>> -> memref<1x128x128xf32, #tpu.memory_space<vmem>>
    %dma_start3A_261 = tpu.memref_squeeze %dma_start3A_260 : memref<1x128x128xf32, #tpu.memory_space<vmem>> -> memref<128x128xf32, #tpu.memory_space<vmem>>
    %dma_start3A_262 = arith.constant 0 : i32
    %dma_start3A_263 = tpu.memref_slice %arg4[%add3A_256, %dma_start3A_262] : memref<204800x128xf32, #tpu.memory_space<hbm>> -> memref<128x128xf32, #tpu.memory_space<hbm>>
    %dma_start3A_264 = arith.constant 0 : i32
    %dma_start3A_265 = tpu.memref_slice %arg4[%add3A_256, %dma_start3A_264] : memref<204800x128xf32, #tpu.memory_space<hbm>> -> memref<128x128xf32, #tpu.memory_space<hbm>>
    %dma_start3A_266 = arith.constant 0 : i32
    %dma_start3A_267 = arith.constant 0 : i32
    %dma_start3A_268 = tpu.memref_slice %arg6[%dma_start3A_257, %dma_start3A_266, %dma_start3A_267] : memref<4x128x128xf32, #tpu.memory_space<vmem>> -> memref<1x128x128xf32, #tpu.memory_space<vmem>>
    %dma_start3A_269 = tpu.memref_squeeze %dma_start3A_268 : memref<1x128x128xf32, #tpu.memory_space<vmem>> -> memref<128x128xf32, #tpu.memory_space<vmem>>
    tpu.enqueue_dma source(%dma_start3A_269 : memref<128x128xf32, #tpu.memory_space<vmem>>) target(%dma_start3A_265 : memref<128x128xf32, #tpu.memory_space<hbm>>) target_semaphore(%arg12 : memref<!tpu.dma_semaphore, #tpu.memory_space<semaphore_mem>>)
    %add3A_270 = arith.constant 188416 : i32
    %add3A_271 = arith.addi %add3A_270, %mul3A_2 : i32
    %dma_wait3A_272 = arith.constant 2 : i32
    %dma_wait3A_273 = arith.constant 0 : i32
    %dma_wait3A_274 = arith.constant 0 : i32
    %dma_wait3A_275 = tpu.memref_slice %arg6[%dma_wait3A_272, %dma_wait3A_273, %dma_wait3A_274] : memref<4x128x128xf32, #tpu.memory_space<vmem>> -> memref<1x128x128xf32, #tpu.memory_space<vmem>>
    %dma_wait3A_276 = tpu.memref_squeeze %dma_wait3A_275 : memref<1x128x128xf32, #tpu.memory_space<vmem>> -> memref<128x128xf32, #tpu.memory_space<vmem>>
    %dma_wait3A_277 = arith.constant 0 : i32
    %dma_wait3A_278 = tpu.memref_slice %arg4[%add3A_271, %dma_wait3A_277] : memref<204800x128xf32, #tpu.memory_space<hbm>> -> memref<128x128xf32, #tpu.memory_space<hbm>>
    %dma_wait3A_279 = arith.constant 0 : i32
    %dma_wait3A_280 = tpu.memref_slice %arg4[%add3A_271, %dma_wait3A_279] : memref<204800x128xf32, #tpu.memory_space<hbm>> -> memref<128x128xf32, #tpu.memory_space<hbm>>
    %dma_wait3A_281 = arith.constant 0 : i32
    %dma_wait3A_282 = arith.constant 0 : i32
    %dma_wait3A_283 = tpu.memref_slice %arg6[%dma_wait3A_272, %dma_wait3A_281, %dma_wait3A_282] : memref<4x128x128xf32, #tpu.memory_space<vmem>> -> memref<1x128x128xf32, #tpu.memory_space<vmem>>
    %dma_wait3A_284 = tpu.memref_squeeze %dma_wait3A_283 : memref<1x128x128xf32, #tpu.memory_space<vmem>> -> memref<128x128xf32, #tpu.memory_space<vmem>>
    tpu.wait_dma2 semaphore(%arg13 : memref<!tpu.dma_semaphore, #tpu.memory_space<semaphore_mem>>) src(%dma_wait3A_284 : memref<128x128xf32, #tpu.memory_space<vmem>>) dst(%dma_wait3A_280 : memref<128x128xf32, #tpu.memory_space<hbm>>)
    %add3A_285 = arith.constant 192512 : i32
    %add3A_286 = arith.addi %add3A_285, %mul3A_2 : i32
    %dma_wait3A_287 = arith.constant 3 : i32
    %dma_wait3A_288 = arith.constant 0 : i32
    %dma_wait3A_289 = arith.constant 0 : i32
    %dma_wait3A_290 = tpu.memref_slice %arg6[%dma_wait3A_287, %dma_wait3A_288, %dma_wait3A_289] : memref<4x128x128xf32, #tpu.memory_space<vmem>> -> memref<1x128x128xf32, #tpu.memory_space<vmem>>
    %dma_wait3A_291 = tpu.memref_squeeze %dma_wait3A_290 : memref<1x128x128xf32, #tpu.memory_space<vmem>> -> memref<128x128xf32, #tpu.memory_space<vmem>>
    %dma_wait3A_292 = arith.constant 0 : i32
    %dma_wait3A_293 = tpu.memref_slice %arg4[%add3A_286, %dma_wait3A_292] : memref<204800x128xf32, #tpu.memory_space<hbm>> -> memref<128x128xf32, #tpu.memory_space<hbm>>
    %dma_wait3A_294 = arith.constant 0 : i32
    %dma_wait3A_295 = tpu.memref_slice %arg4[%add3A_286, %dma_wait3A_294] : memref<204800x128xf32, #tpu.memory_space<hbm>> -> memref<128x128xf32, #tpu.memory_space<hbm>>
    %dma_wait3A_296 = arith.constant 0 : i32
    %dma_wait3A_297 = arith.constant 0 : i32
    %dma_wait3A_298 = tpu.memref_slice %arg6[%dma_wait3A_287, %dma_wait3A_296, %dma_wait3A_297] : memref<4x128x128xf32, #tpu.memory_space<vmem>> -> memref<1x128x128xf32, #tpu.memory_space<vmem>>
    %dma_wait3A_299 = tpu.memref_squeeze %dma_wait3A_298 : memref<1x128x128xf32, #tpu.memory_space<vmem>> -> memref<128x128xf32, #tpu.memory_space<vmem>>
    tpu.wait_dma2 semaphore(%arg14 : memref<!tpu.dma_semaphore, #tpu.memory_space<semaphore_mem>>) src(%dma_wait3A_299 : memref<128x128xf32, #tpu.memory_space<vmem>>) dst(%dma_wait3A_295 : memref<128x128xf32, #tpu.memory_space<hbm>>)
    %add3A_300 = arith.constant 196608 : i32
    %add3A_301 = arith.addi %add3A_300, %mul3A_2 : i32
    %dma_wait3A_302 = arith.constant 0 : i32
    %dma_wait3A_303 = arith.constant 0 : i32
    %dma_wait3A_304 = arith.constant 0 : i32
    %dma_wait3A_305 = tpu.memref_slice %arg6[%dma_wait3A_302, %dma_wait3A_303, %dma_wait3A_304] : memref<4x128x128xf32, #tpu.memory_space<vmem>> -> memref<1x128x128xf32, #tpu.memory_space<vmem>>
    %dma_wait3A_306 = tpu.memref_squeeze %dma_wait3A_305 : memref<1x128x128xf32, #tpu.memory_space<vmem>> -> memref<128x128xf32, #tpu.memory_space<vmem>>
    %dma_wait3A_307 = arith.constant 0 : i32
    %dma_wait3A_308 = tpu.memref_slice %arg4[%add3A_301, %dma_wait3A_307] : memref<204800x128xf32, #tpu.memory_space<hbm>> -> memref<128x128xf32, #tpu.memory_space<hbm>>
    %dma_wait3A_309 = arith.constant 0 : i32
    %dma_wait3A_310 = tpu.memref_slice %arg4[%add3A_301, %dma_wait3A_309] : memref<204800x128xf32, #tpu.memory_space<hbm>> -> memref<128x128xf32, #tpu.memory_space<hbm>>
    %dma_wait3A_311 = arith.constant 0 : i32
    %dma_wait3A_312 = arith.constant 0 : i32
    %dma_wait3A_313 = tpu.memref_slice %arg6[%dma_wait3A_302, %dma_wait3A_311, %dma_wait3A_312] : memref<4x128x128xf32, #tpu.memory_space<vmem>> -> memref<1x128x128xf32, #tpu.memory_space<vmem>>
    %dma_wait3A_314 = tpu.memref_squeeze %dma_wait3A_313 : memref<1x128x128xf32, #tpu.memory_space<vmem>> -> memref<128x128xf32, #tpu.memory_space<vmem>>
    tpu.wait_dma2 semaphore(%arg11 : memref<!tpu.dma_semaphore, #tpu.memory_space<semaphore_mem>>) src(%dma_wait3A_314 : memref<128x128xf32, #tpu.memory_space<vmem>>) dst(%dma_wait3A_310 : memref<128x128xf32, #tpu.memory_space<hbm>>)
    %add3A_315 = arith.constant 200704 : i32
    %add3A_316 = arith.addi %add3A_315, %mul3A_2 : i32
    %dma_wait3A_317 = arith.constant 1 : i32
    %dma_wait3A_318 = arith.constant 0 : i32
    %dma_wait3A_319 = arith.constant 0 : i32
    %dma_wait3A_320 = tpu.memref_slice %arg6[%dma_wait3A_317, %dma_wait3A_318, %dma_wait3A_319] : memref<4x128x128xf32, #tpu.memory_space<vmem>> -> memref<1x128x128xf32, #tpu.memory_space<vmem>>
    %dma_wait3A_321 = tpu.memref_squeeze %dma_wait3A_320 : memref<1x128x128xf32, #tpu.memory_space<vmem>> -> memref<128x128xf32, #tpu.memory_space<vmem>>
    %dma_wait3A_322 = arith.constant 0 : i32
    %dma_wait3A_323 = tpu.memref_slice %arg4[%add3A_316, %dma_wait3A_322] : memref<204800x128xf32, #tpu.memory_space<hbm>> -> memref<128x128xf32, #tpu.memory_space<hbm>>
    %dma_wait3A_324 = arith.constant 0 : i32
    %dma_wait3A_325 = tpu.memref_slice %arg4[%add3A_316, %dma_wait3A_324] : memref<204800x128xf32, #tpu.memory_space<hbm>> -> memref<128x128xf32, #tpu.memory_space<hbm>>
    %dma_wait3A_326 = arith.constant 0 : i32
    %dma_wait3A_327 = arith.constant 0 : i32
    %dma_wait3A_328 = tpu.memref_slice %arg6[%dma_wait3A_317, %dma_wait3A_326, %dma_wait3A_327] : memref<4x128x128xf32, #tpu.memory_space<vmem>> -> memref<1x128x128xf32, #tpu.memory_space<vmem>>
    %dma_wait3A_329 = tpu.memref_squeeze %dma_wait3A_328 : memref<1x128x128xf32, #tpu.memory_space<vmem>> -> memref<128x128xf32, #tpu.memory_space<vmem>>
    tpu.wait_dma2 semaphore(%arg12 : memref<!tpu.dma_semaphore, #tpu.memory_space<semaphore_mem>>) src(%dma_wait3A_329 : memref<128x128xf32, #tpu.memory_space<vmem>>) dst(%dma_wait3A_325 : memref<128x128xf32, #tpu.memory_space<hbm>>)
    return
  }
}

</mosaic_0001>

<sc_bundles>
// kernel: kernel.3.cloned.1.call-start
scs
__scs_entry_jumppad:
0x0: {  	(pc) =	sbr.rel $0x88, $3  }
0x1: {  	(tag) =	ssettag $0x0;
	lr =	simm.s32 $0x1  }
0x2: {  	[smem:$0x3F9F] =	sst lr;
	_ =	strace $0xD0000000  }
0x3: {  	_ = 	snop  }
0x4: {  	_ = 	snop  }
0x5: {  	_ = 	snop  }
0x6: {  	_ = 	snop  }
0x7: {  	_ = 	snop  }
__scs_overlays_trampoline_lowered:
0x8: {  	[smem:$0x3FAE] =	sst s0  }
0x9: {  	[smem:$0x3FAF] =	sst s1  }
0xa: {  	[smem:$0x3FB0] =	sst s2  }
0xb: {  	[smem:$0x3FB1] =	sst s3  }
0xc: {  	[smem:$0x3FB2] =	sst s4  }
0xd: {  	[smem:$0x3FB3] =	sst s5  }
0xe: {  	[smem:$0x3FB4] =	sst s6  }
0xf: {  	[smem:$0x3FB5] =	sst s7  }
0x10: {  	[smem:$0x3FB6] =	sst s8  }
0x11: {  	[smem:$0x3FB7] =	sst s9;
	s0 =	simm.s32 @!p0 $0x0  }
0x12: {  	s1 =	sld [smem:$0x3F9D];
	s0 =	simm.s32 @p0 $0x1  }
0x13: {  	[smem:$0x3FB8] =	sst s0;
	s0 =	simm.s32 @!p1 $0x0  }
0x14: {  	s2 =	sld [smem:$0x3F9C];
	s0 =	simm.s32 @p1 $0x1  }
0x15: {  	[smem:$0x3FB9] =	sst s0;
	s0 =	simm.s32 @!p2 $0x0  }
0x16: {  	s3 =	sld [smem:$0x3FDB];
	s0 =	simm.s32 @p2 $0x1  }
0x17: {  	s4 =	simm.s32 $0x1BF5;
	[smem:$0x3FBB] =	sst s0  }
0x18: {  	s0 =	sld [smem:$0x3F9E];
	_ =	swait.ge [sflag:s4], $0x0  }
0x19: {  	s7 =	sld [smem:$0x3F9F]  }
0x1a: {  	s8 =	sadd.s32 $0xFFFFE003, lr  }
0x1b: {  	s9 =	sadd.s32 $0xFFFFFEF7, lr;
	s5 =	simm.s32 $0xFFFFFFFF;
	p2 =	slt.u32 s8, $0xFFFFF086  }
0x1c: {  	p1 =	slt.u32 s9, $0xF7A;
	s5 =	simm.s32 @!p2 $0x0  }
0x1d: {  	s5 =	simm.s32 @p1 $0x1;
	p0 =	seq.s32 s7, s2  }
0x1e: {  	s7 =	smul.u32 @!p0 $0xF7A, s2;
	p2 =	seq.s32 @!p0 s5, $0x0  }
0x1f: {  	s9 =	smul.u32 $0xF7A, s1;
	s8 =	simm.s32 @!p0 $0x1BF5;
	p2 =	por !p2, p0  }
0x20: {  	[sflag:s8] =	ssyncset.s32 @!p0 $0xFFFFF086;
	s6 =	sadd.s32 @!p0 s3, s7;
	s7 =	simm.s32 @!p0 $0x108  }
0x21: {  	s3 =	sadd.s32 s3, s9;
	s6 =	sadd.s32 @!p0 $0x88, s6;
	s7 =	simm.s32 @p2 $0x1082  }
0x22: {  	[simem:s7], [sflag:s8] =	dma.local @!p0 [hbm:s6], $0xF7A  }
0x23: {  	s9 =	sor.u32 $0xD0000000, s2;
	s6 =	simm.s32 $0x108;
	_ =	swait.ge @!p0 [sflag:s8], $0x0  }
0x24: {  	s3 =	sadd.s32 $0x88, s3;
	s6 =	simm.s32 @!p1 $0x1082;
	[sflag:s4] =	ssyncset.s32 $0xFFFFF086  }
0x25: {  	[simem:s6], [sflag:s4] =	dma.local [hbm:s3], $0xF7A  }
0x26: {  	[smem:$0x3F9F] =	sst s1;
	(tag) =	ssettag s2;
	_ =	strace s9  }
0x27: {  	s1 =	sld [smem:$0x3FAF]  }
0x28: {  	s2 =	sld [smem:$0x3FB0]  }
0x29: {  	s4 =	sld [smem:$0x3FB2]  }
0x2a: {  	p0 =	seq.s32 s5, $0x0;
	s5 =	sld [smem:$0x3FB3]  }
0x2b: {  	s6 =	sld [smem:$0x3FB4]  }
0x2c: {  	s7 =	sld [smem:$0x3FB5]  }
0x2d: {  	s3 =	simm.s32 $0x108;
	s8 =	sld [smem:$0x3FB6]  }
0x2e: {  	s3 =	simm.s32 @!p0 $0x1082;
	s9 =	sld [smem:$0x3FB7]  }
0x2f: {  	lr =	sadd.s32 s0, s3;
	s0 =	sld [smem:$0x3FAE]  }
0x30: {  	s3 =	sld [smem:$0x3FB1]  }
0x31: {  	[smem:$0x3FBA] =	sst s10  }
0x32: {  	s10 =	sld [smem:$0x3FB8];
	_ =	sdelay $0x3  }
0x33: {  	p0 =	seq.s32 s10, $0x1;
	s10 =	sld [smem:$0x3FBA];
	_ =	sdelay $0x3  }
0x34: {  	[smem:$0x3FBA] =	sst s10  }
0x35: {  	s10 =	sld [smem:$0x3FB9];
	_ =	sdelay $0x3  }
0x36: {  	p1 =	seq.s32 s10, $0x1;
	s10 =	sld [smem:$0x3FBA];
	_ =	sdelay $0x3  }
0x37: {  	[smem:$0x3FBA] =	sst s10  }
0x38: {  	s10 =	sld [smem:$0x3FBB]  }
0x39: {  	_ = 	snop;
	(pc) =	sbr.ind lr, $3  }
0x3a: {  	_ = 	snop  }
0x3b: {  	_ = 	snop  }
0x3c: {  	p2 =	seq.s32 s10, $0x1;
	s10 =	sld [smem:$0x3FBA]  }
0x3d: {  	_ =	shalt  }
0x3e: {  	_ =	shalt  }
0x3f: {  	_ =	shalt  }
0x40: {  	_ =	shalt  }
0x41: {  	_ =	shalt  }
0x42: {  	_ =	shalt  }
0x43: {  	_ =	shalt  }
0x44: {  	_ =	shalt  }
0x45: {  	_ =	shalt  }
0x46: {  	_ =	shalt  }
0x47: {  	_ =	shalt  }
0x48: {  	_ =	shalt  }
0x49: {  	_ =	shalt  }
0x4a: {  	_ =	shalt  }
0x4b: {  	_ =	shalt  }
0x4c: {  	_ =	shalt  }
0x4d: {  	_ =	shalt  }
0x4e: {  	_ =	shalt  }
0x4f: {  	_ =	shalt  }
0x50: {  	_ =	shalt  }
0x51: {  	_ =	shalt  }
0x52: {  	_ =	shalt  }
0x53: {  	_ =	shalt  }
0x54: {  	_ =	shalt  }
0x55: {  	_ =	shalt  }
0x56: {  	_ =	shalt  }
0x57: {  	_ =	shalt  }
0x58: {  	_ =	shalt  }
0x59: {  	_ =	shalt  }
0x5a: {  	_ =	shalt  }
0x5b: {  	_ =	shalt  }
0x5c: {  	_ =	shalt  }
0x5d: {  	_ =	shalt  }
0x5e: {  	_ =	shalt  }
0x5f: {  	_ =	shalt  }
0x60: {  	_ =	shalt  }
0x61: {  	_ =	shalt  }
0x62: {  	_ =	shalt  }
0x63: {  	_ =	shalt  }
0x64: {  	_ =	shalt  }
0x65: {  	_ =	shalt  }
0x66: {  	_ =	shalt  }
0x67: {  	_ =	shalt  }
0x68: {  	_ =	shalt  }
0x69: {  	_ =	shalt  }
0x6a: {  	_ =	shalt  }
0x6b: {  	_ =	shalt  }
0x6c: {  	_ =	shalt  }
0x6d: {  	_ =	shalt  }
0x6e: {  	_ =	shalt  }
0x6f: {  	_ =	shalt  }
0x70: {  	_ =	shalt  }
0x71: {  	_ =	shalt  }
0x72: {  	_ =	shalt  }
0x73: {  	_ =	shalt  }
0x74: {  	_ =	shalt  }
0x75: {  	_ =	shalt  }
0x76: {  	_ =	shalt  }
0x77: {  	_ =	shalt  }
0x78: {  	_ =	shalt  }
0x79: {  	_ =	shalt  }
0x7a: {  	_ =	shalt  }
0x7b: {  	_ =	shalt  }
0x7c: {  	_ =	shalt  }
0x7d: {  	_ =	shalt  }
0x7e: {  	_ =	shalt  }
0x7f: {  	_ =	shalt  }
0x80: {  	_ =	shalt  }
0x81: {  	_ =	shalt  }
0x82: {  	_ =	shalt  }
0x83: {  	_ =	shalt  }
0x84: {  	_ =	shalt  }
0x85: {  	_ =	shalt  }
0x86: {  	_ =	shalt  }
0x87: {  	_ =	shalt  }
.Lfunc_end0:
.L_simem_size_0:
called_computation_lowered:
.L_overlay_start_0:
0x88: {  	s2 =	sld [smem:$0x3FD9]  }
0x89: {  	s3 =	sld [smem:$0x3FFE];
	_ =	sdelay $0x1  }
0x8a: {  	s1 =	srdreg.scid  }
0x8b: {  	s0 =	sand.u32 $0x1, s1  }
0x8c: {  	s18 =	sshll.u32 s0, $0xA;
	s2 =	sadd.s32 s3, s2  }
0x8d: {  	s2 =	sadd.s32 s2, s18  }
0x8e: {  	[smem:$0x3FC6] =	sst s2  }
0x8f: {  	_ = 	snop  }
0x90: {  	s2 =	sld [smem:$0x3FC9]  }
0x91: {  	s19 =	sld [smem:$0x3FC8]  }
0x92: {  	s4 =	sld [smem:$0x3FD0];
	(tm) =	ssettm $0x1  }
0x93: {  	s5 =	sld [smem:$0x3FFB];
	_ =	sdelay $0x3  }
0x94: {  	_ =	strace s5  }
0x95: {  	s5 =	sld [smem:$0x3FFC];
	_ =	sdelay $0x3  }
0x96: {  	_ =	strace s5  }
0x97: {  	s5 =	sld [smem:$0x3FFD];
	_ =	sdelay $0x3  }
0x98: {  	_ =	strace s5  }
0x99: {  	_ =	strace $0x8FFFFFFF  }
0x9a: {  	s20 =	sld [smem:$0x3FDB];
	_ =	sdelay $0x1  }
0x9b: {  	s6 =	simm.s32 $_scs_section_size  }
0x9c: {  	s7 =	simm.s32 $_size__tile_overlayer_lowered;
	s8 =	simm.s32 $_tile_overlayer_lowered  }
0x9d: {  	s23 =	simm.s32 $0x1BFF;
	s22 =	sshll.u32 s8, $0x1;
	s5 =	sadd.s32 s6, s20  }
0x9e: {  	s9 =	simm.s32 $0x0;
	s21 =	sshll.u32 s7, $0x1;
	s7 =	sadd.s32 s22, s5  }
0x9f: {  	[timem:s9], [sflag:s23] =	dma.local [hbm:s7], s21  }
0xa0: {  	_ =	swait.ge [sflag:s23], s21  }
0xa1: {  	s6 =	ssub.s32 $0x0, s21;
	[sflag:s23] =	ssyncset.done $0x0  }
0xa2: {  	[sflag:s23] =	ssyncadd.s32 s6;
	_ =	sdelay $0x1  }
0xa3: {  	s24 =	simm.s32 $0x1B8B  }
0xa4: {  	_ =	swait.ge [sflag:s24], $0x1  }
0xa5: {  	[sflag:s24] =	ssyncset.done $0x0  }
0xa6: {  	s25 =	simm.s32 $0x1B8E;
	[sflag:s24] =	ssyncadd.s32 $0xFFFFFFFF  }
0xa7: {  	s26 =	simm.s32 $execute0_lowered;
	[smem:$0x3FD2] =	sst s25  }
0xa8: {  	s6 =	sshll.u32 s26, $0x1;
	_ =	strace $0x80000046;
	[dreg:$0x1] =	wrdreg $0xFFFFFFFF  }
0xa9: {  	s28 =	simm.s32 $_size_execute0_lowered;
	s5 =	sadd.s32 s5, s6;
	[dreg:$0x0] =	wrdreg $0x0  }
0xaa: {  	s6 =	sshll.u32 s28, $0x1;
	[dreg:$0x2] =	wrdreg s5  }
0xab: {  	[dreg:$0x3] =	wrdreg s6  }
0xac: {  	[dreg:$0x4] =	wrdreg $0xC0  }
0xad: {  	_ =	task [dreg:s9], $0x5FFFF  }
0xae: {  	[dreg:$0x1] =	wrdreg $0xFFFFFFFF  }
0xaf: {  	[dreg:$0x0] =	wrdreg $0x60  }
0xb0: {  	[dreg:$0x2] =	wrdreg s2  }
0xb1: {  	[dreg:$0x3] =	wrdreg s19  }
0xb2: {  	[dreg:$0x4] =	wrdreg s4  }
0xb3: {  	[dreg:$0x5] =	wrdreg $0x9  }
0xb4: {  	_ =	task.clear_ibuf [dreg:s9], $0x6FFFF;
	_ =	strace $0x90000046  }
0xb5: {  	s29 =	simm.s32 $0x9;
	_ =	strace $0x80000048  }
0xb6: {  	_ =	swait.ge [sflag:s29], $0x1  }
0xb7: {  	[sflag:s29] =	ssyncadd.s32 $0xFFFFFFFF  }
0xb8: {  	_ =	strace $0x90000048  }
0xb9: {  	_ =	sfence  }
0xba: {  	s30 =	sld [smem:$0x0];
	_ =	sdelay $0x2  }
0xbb: {  	s31 =	sshll.u32 s1, $0xD;
	s1 =	sshrl.u32 s1, $0x2  }
0xbc: {  	s3 =	sand.u32 $0x4000, s31;
	s1 =	sadd.s32 s1, s30  }
0xbd: {  	s0 =	sor.u32 s3, s0;
	s1 =	sshll.u32 s1, $0x11  }
0xbe: {  	s0 =	sor.u32 s1, s0  }
0xbf: {  	s0 =	sadd.s32 $0x8F2B, s0  }
0xc0: {  	[sflag:s0] =	ssyncadd.remote.s32 $0x1  }
0xc1: {  	_ =	sfence.sel $0xFFFF  }
0xc2: {  	[dreg:$0x0] =	wrdreg $0xFFFFFFFF;
	(pc) =	sbr.abs _section_cstart, $3  }
0xc3: {  	[dreg:$0x1] =	wrdreg $0xFFFFFFFF  }
0xc4: {  	_ =	task.clear_ibuf [dreg:s9], $0x2FFFF;
	_ =	strace $0x9FFFFFFF  }
0xc5: {  	(tm) =	ssettm $0x7FFFFFFF  }
tec
execute0_lowered:
.L_overlay_start_1:
0x0: {  	(tag) =	ssettag $0x1  }
0x1: {  	s0 =	rddreg [dreg:$0x0]  }
0x2: {  	s2 =	rddreg [dreg:$0x1]  }
0x3: {  	s1 =	rddreg [dreg:$0x2]  }
0x4: {  	s3 =	srdreg.scid;
	s8 =	stileid.u32  }
0x5: {  	s16 =	simm.s32 $0x1800;
	s17 =	simm.s32 $0x9;
	s18 =	simm.s32 $0x80  }
0x6: {  	s19 =	simm.s32 $0x1C00;
	s20 =	simm.s32 $0x5C00;
	s21 =	simm.s32 $0x1  }
0x7: {  	s23 =	simm.s32 $0x9C00;
	s28 =	simm.s32 $0x3;
	s29 =	simm.s32 $0x5  }
0x8: {  	s30 =	simm.s32 $0x4;
	s31 =	simm.s32 $0x6;
	s15 =	simm.s32 $0x0  }
0x9: {  	s9 =	sand.u32 $0x1, s3;
	s3 =	simm.s32 $0x0;
	s4 =	sshll.u32 s8, $0x8  }
0xa: {  	s25 =	sshll.u32 s8, $0xC;
	s5 =	sshll.u32 s9, $0x7;
	[smem:$0x7FF] =	sst s3  }
0xb: {  	s6 =	ssub.s32 $0x2, s9;
	s26 =	sshll.u32 s9, $0xB;
	s4 =	sor.u32 s5, s4  }
0xc: {  	_ =	strace $0x80000047;
	s24 =	sshrl.u32 s6, $0x1;
	s7 =	sshll.u32 s4, $0x4  }
0xd: {  	s12 =	ssub.s32 s6, s24;
	s4 =	sadd.s32 s0, s4;
	s24 =	simm.s32 $0x2  }
0xe: {  	s5 =	sadd.s32 s1, s7;
	s0 =	sadd.s32 $0x6000, s4;
	s12 =	smax.u32 s12, $0x1  }
0xf: {  	[dreg:$0x4] =	wrdreg s0;
	s7 =	sadd.s32 $0x10000, s5;
	s8 =	sadd.s32 $0x2E0000, s5  }
0x10: {  	s0 =	sadd.s32 s25, s1;
	s9 =	sadd.s32 $0x2F0000, s5;
	s10 =	sadd.s32 $0x300000, s5  }
0x11: {  	s11 =	sadd.s32 $0x310000, s5;
	s1 =	simm.s32 $0x8;
	s0 =	sadd.s32 s26, s0  }
0x12: {  	s26 =	simm.s32 $0xDC00;
	s13 =	sadd.s32 $0x50000, s0;
	s0 =	simm.s32 $0x7  }
.LBB2_1:
0x13: {  	s6 =	simm.s32 $0x400;
	s14 =	simm.s32 $0x8000  }
0x14: {  	[tilespmem:s3], [sflag:$0x9] =	stream.strided.gather [hbm4b:s4+s6], $0x1800, s14, s6, $0x38;
	[tilespmem:$0x11C00] =	vst v63  }
0x15: {  	s14 =	rddreg [dreg:$0x4]  }
0x16: {  	[tilespmem:s16], [sflag:$0x9] =	stream.linear.gather [hbm4b:s14+s3], $0x100, $0x38;
	[tilespmem:$0x11C00] =	vst v63  }
0x17: {  	_ =	swait.ge [sflag:s17], $0x1900  }
0x18: {  	[sflag:s17] =	ssyncset.done $0x0  }
0x19: {  	[sflag:s17] =	ssyncadd.s32 $0xFFFFE700  }
0x1a: {  	[tilespmem:s19], [sflag:$0x1] =	stream.indirect.gather [hbm4b:s2+s18], $0x80, s3, s18, $0xb8;
	[tilespmem:$0x11C00] =	vst v63  }
0x1b: {  	_ = 	snop  }
0x1c: {  	[tilespmem:s20], [sflag:$0x2] =	stream.indirect.gather [hbm4b:s2+s18], $0x80, s18, s18, $0xb8;
	[tilespmem:$0x11C00] =	vst v63  }
0x1d: {  	_ =	swait.ge [sflag:s21], $0x4000  }
0x1e: {  	[sflag:s21] =	ssyncset.done $0x0  }
0x1f: {  	[sflag:s21] =	ssyncadd.s32 $0xFFFFC000  }
0x20: {  	[hbm4b:s5+s3] =	stream.linear.scatter [tilespmem:s19], [sflag:$0x5], $0x4000, $0x38;
	[tilespmem:$0x11C00] =	vst v63  }
0x21: {  	s22 =	simm.s32 $0x100  }
0x22: {  	[tilespmem:s23], [sflag:$0x3] =	stream.indirect.gather [hbm4b:s2+s18], $0x80, s22, s18, $0xb8;
	[tilespmem:$0x11C00] =	vst v63  }
0x23: {  	_ =	swait.ge [sflag:s24], $0x4000  }
0x24: {  	[sflag:s24] =	ssyncset.done $0x0  }
0x25: {  	[sflag:s24] =	ssyncadd.s32 $0xFFFFC000  }
0x26: {  	[hbm4b:s7+s3] =	stream.linear.scatter [tilespmem:s20], [sflag:$0x6], $0x4000, $0x38;
	[tilespmem:$0x11C00] =	vst v63  }
0x27: {  	s25 =	simm.s32 $0x180  }
0x28: {  	[tilespmem:s26], [sflag:$0x4] =	stream.indirect.gather [hbm4b:s2+s18], $0x80, s25, s18, $0xb8;
	[tilespmem:$0x11C00] =	vst v63  }
0x29: {  	_ =	swait.ge [sflag:s28], $0x4000  }
0x2a: {  	[sflag:s28] =	ssyncset.done $0x0  }
0x2b: {  	s6 =	sadd.s32 $0xFFFD0000, s13;
	[sflag:s28] =	ssyncadd.s32 $0xFFFFC000  }
0x2c: {  	[hbm4b:s6+s3] =	stream.linear.scatter [tilespmem:s23], [sflag:$0x7], $0x4000, $0x38;
	[tilespmem:$0x11C00] =	vst v63  }
0x2d: {  	_ =	swait.ge [sflag:s29], $0x4000  }
0x2e: {  	[sflag:s29] =	ssyncset.done $0x0  }
0x2f: {  	s22 =	simm.s32 $0x200;
	[sflag:s29] =	ssyncadd.s32 $0xFFFFC000  }
0x30: {  	[tilespmem:s19], [sflag:$0x1] =	stream.indirect.gather [hbm4b:s2+s18], $0x80, s22, s18, $0xb8;
	[tilespmem:$0x11C00] =	vst v63  }
0x31: {  	_ =	swait.ge [sflag:s30], $0x4000  }
0x32: {  	[sflag:s30] =	ssyncset.done $0x0  }
0x33: {  	s25 =	sadd.s32 $0xFFFE0000, s13;
	[sflag:s30] =	ssyncadd.s32 $0xFFFFC000  }
0x34: {  	[hbm4b:s25+s3] =	stream.linear.scatter [tilespmem:s26], [sflag:$0x8], $0x4000, $0x38;
	[tilespmem:$0x11C00] =	vst v63  }
0x35: {  	_ =	swait.ge [sflag:s31], $0x4000  }
0x36: {  	[sflag:s31] =	ssyncset.done $0x0  }
0x37: {  	s6 =	simm.s32 $0x280;
	[sflag:s31] =	ssyncadd.s32 $0xFFFFC000  }
0x38: {  	[tilespmem:s20], [sflag:$0x2] =	stream.indirect.gather [hbm4b:s2+s18], $0x80, s6, s18, $0xb8;
	[tilespmem:$0x11C00] =	vst v63  }
0x39: {  	_ =	swait.ge [sflag:s21], $0x4000  }
0x3a: {  	[sflag:s21] =	ssyncset.done $0x0  }
0x3b: {  	s22 =	sadd.s32 $0xFFFF0000, s13;
	[sflag:s21] =	ssyncadd.s32 $0xFFFFC000  }
0x3c: {  	[hbm4b:s22+s3] =	stream.linear.scatter [tilespmem:s19], [sflag:$0x5], $0x4000, $0x38;
	[tilespmem:$0x11C00] =	vst v63  }
0x3d: {  	_ =	swait.ge [sflag:s0], $0x4000  }
0x3e: {  	[sflag:s0] =	ssyncset.done $0x0  }
0x3f: {  	s25 =	simm.s32 $0x300;
	[sflag:s0] =	ssyncadd.s32 $0xFFFFC000  }
0x40: {  	[tilespmem:s23], [sflag:$0x3] =	stream.indirect.gather [hbm4b:s2+s18], $0x80, s25, s18, $0xb8;
	[tilespmem:$0x11C00] =	vst v63  }
0x41: {  	_ =	swait.ge [sflag:s24], $0x4000  }
0x42: {  	[sflag:s24] =	ssyncset.done $0x0  }
0x43: {  	[sflag:s24] =	ssyncadd.s32 $0xFFFFC000  }
0x44: {  	[hbm4b:s13+s3] =	stream.linear.scatter [tilespmem:s20], [sflag:$0x6], $0x4000, $0x38;
	[tilespmem:$0x11C00] =	vst v63  }
0x45: {  	_ =	swait.ge [sflag:s1], $0x4000  }
0x46: {  	s14 =	simm.s32 $0x380;
	[sflag:s1] =	ssyncset.done $0x0  }
0x47: {  	s22 =	simm.s32 $0x800;
	s25 =	sadd.s32 $0x40000, s13;
	[sflag:s1] =	ssyncadd.s32 $0xFFFFC000  }
.LBB2_2:
0x48: {  	[tilespmem:s26], [sflag:$0x4] =	stream.indirect.gather [hbm4b:s2+s18], $0x80, s14, s18, $0xb8;
	[tilespmem:$0x11C00] =	vst v63  }
0x49: {  	s14 =	smov.u32 s22  }
0x4a: {  	p0 =	sne.s32 s22, $0x5000;
	s22 =	sadd.s32 $0x800, s22;
	_ =	swait.ge [sflag:s28], $0x4000  }
0x4b: {  	[sflag:s28] =	ssyncset.done $0x0  }
0x4c: {  	s6 =	sadd.s32 $0xFFFD0000, s25;
	[sflag:s28] =	ssyncadd.s32 $0xFFFFC000  }
0x4d: {  	[hbm4b:s6+s3] =	stream.linear.scatter [tilespmem:s23], [sflag:$0x7], $0x4000, $0x38;
	[tilespmem:$0x11C00] =	vst v63  }
0x4e: {  	_ =	swait.ge [sflag:s29], $0x4000  }
0x4f: {  	s6 =	sshra.s32 s14, $0x2;
	[sflag:s29] =	ssyncset.done $0x0  }
0x50: {  	s14 =	sadd.s32 $0x200, s6;
	[sflag:s29] =	ssyncadd.s32 $0xFFFFC000  }
0x51: {  	[tilespmem:s19], [sflag:$0x1] =	stream.indirect.gather [hbm4b:s2+s18], $0x80, s14, s18, $0xb8;
	[tilespmem:$0x11C00] =	vst v63  }
0x52: {  	_ =	swait.ge [sflag:s30], $0x4000  }
0x53: {  	[sflag:s30] =	ssyncset.done $0x0  }
0x54: {  	s14 =	sadd.s32 $0xFFFE0000, s25;
	[sflag:s30] =	ssyncadd.s32 $0xFFFFC000  }
0x55: {  	[hbm4b:s14+s3] =	stream.linear.scatter [tilespmem:s26], [sflag:$0x8], $0x4000, $0x38;
	[tilespmem:$0x11C00] =	vst v63  }
0x56: {  	_ =	swait.ge [sflag:s31], $0x4000  }
0x57: {  	[sflag:s31] =	ssyncset.done $0x0  }
0x58: {  	s14 =	sadd.s32 $0x280, s6;
	[sflag:s31] =	ssyncadd.s32 $0xFFFFC000  }
0x59: {  	[tilespmem:s20], [sflag:$0x2] =	stream.indirect.gather [hbm4b:s2+s18], $0x80, s14, s18, $0xb8;
	[tilespmem:$0x11C00] =	vst v63  }
0x5a: {  	_ =	swait.ge [sflag:s21], $0x4000  }
0x5b: {  	[sflag:s21] =	ssyncset.done $0x0  }
0x5c: {  	s14 =	sadd.s32 $0xFFFF0000, s25;
	[sflag:s21] =	ssyncadd.s32 $0xFFFFC000  }
0x5d: {  	[hbm4b:s14+s3] =	stream.linear.scatter [tilespmem:s19], [sflag:$0x5], $0x4000, $0x38;
	[tilespmem:$0x11C00] =	vst v63  }
0x5e: {  	_ =	swait.ge [sflag:s0], $0x4000  }
0x5f: {  	[sflag:s0] =	ssyncset.done $0x0  }
0x60: {  	s14 =	sadd.s32 $0x300, s6;
	[sflag:s0] =	ssyncadd.s32 $0xFFFFC000  }
0x61: {  	[tilespmem:s23], [sflag:$0x3] =	stream.indirect.gather [hbm4b:s2+s18], $0x80, s14, s18, $0xb8;
	[tilespmem:$0x11C00] =	vst v63  }
0x62: {  	_ =	swait.ge [sflag:s24], $0x4000  }
0x63: {  	[sflag:s24] =	ssyncset.done $0x0  }
.Ltmp0:
0x64: {  	[sflag:s24] =	ssyncadd.s32 $0xFFFFC000;
	(pc) =	sbr.rel @p0 .LBB2_2-.Ltmp0, $4  }
0x65: {  	[hbm4b:s25+s3] =	stream.linear.scatter [tilespmem:s20], [sflag:$0x6], $0x4000, $0x38;
	[tilespmem:$0x11C00] =	vst v63  }
0x66: {  	_ =	swait.ge [sflag:s1], $0x4000  }
0x67: {  	[sflag:s1] =	ssyncset.done $0x0  }
0x68: {  	s14 =	sadd.s32 $0x380, s6;
	s25 =	sadd.s32 $0x40000, s25;
	[sflag:s1] =	ssyncadd.s32 $0xFFFFC000  }
0x69: {  	[tilespmem:s26], [sflag:$0x4] =	stream.indirect.gather [hbm4b:s2+s18], $0x80, s14, s18, $0xb8;
	[tilespmem:$0x11C00] =	vst v63  }
0x6a: {  	_ =	swait.ge [sflag:s28], $0x4000  }
0x6b: {  	[sflag:s28] =	ssyncset.done $0x0  }
0x6c: {  	[sflag:s28] =	ssyncadd.s32 $0xFFFFC000  }
0x6d: {  	[hbm4b:s8+s3] =	stream.linear.scatter [tilespmem:s23], [sflag:$0x7], $0x4000, $0x38;
	[tilespmem:$0x11C00] =	vst v63  }
0x6e: {  	_ =	swait.ge [sflag:s29], $0x4000  }
0x6f: {  	[sflag:s29] =	ssyncset.done $0x0  }
0x70: {  	[sflag:s29] =	ssyncadd.s32 $0xFFFFC000  }
0x71: {  	[tilespmem:s19], [sflag:$0x1] =	stream.indirect.gather [hbm4b:s2+s18], $0x80, s16, s18, $0xb8;
	[tilespmem:$0x11C00] =	vst v63  }
0x72: {  	_ =	swait.ge [sflag:s30], $0x4000  }
0x73: {  	[sflag:s30] =	ssyncset.done $0x0  }
0x74: {  	[sflag:s30] =	ssyncadd.s32 $0xFFFFC000  }
0x75: {  	[hbm4b:s9+s3] =	stream.linear.scatter [tilespmem:s26], [sflag:$0x8], $0x4000, $0x38;
	[tilespmem:$0x11C00] =	vst v63  }
0x76: {  	_ =	swait.ge [sflag:s31], $0x4000  }
0x77: {  	[sflag:s31] =	ssyncset.done $0x0  }
0x78: {  	s6 =	simm.s32 $0x1880;
	[sflag:s31] =	ssyncadd.s32 $0xFFFFC000  }
0x79: {  	[tilespmem:s20], [sflag:$0x2] =	stream.indirect.gather [hbm4b:s2+s18], $0x80, s6, s18, $0xb8;
	[tilespmem:$0x11C00] =	vst v63  }
0x7a: {  	_ =	swait.ge [sflag:s21], $0x4000  }
0x7b: {  	[sflag:s21] =	ssyncset.done $0x0  }
0x7c: {  	[sflag:s21] =	ssyncadd.s32 $0xFFFFC000  }
0x7d: {  	[hbm4b:s10+s3] =	stream.linear.scatter [tilespmem:s19], [sflag:$0x5], $0x4000, $0x38;
	[tilespmem:$0x11C00] =	vst v63  }
0x7e: {  	_ =	swait.ge [sflag:s24], $0x4000  }
0x7f: {  	[sflag:s24] =	ssyncset.done $0x0  }
0x80: {  	[sflag:s24] =	ssyncadd.s32 $0xFFFFC000  }
0x81: {  	[hbm4b:s11+s3] =	stream.linear.scatter [tilespmem:s20], [sflag:$0x6], $0x4000, $0x38;
	[tilespmem:$0x11C00] =	vst v63  }
0x82: {  	_ =	swait.ge [sflag:s0], $0x4000  }
0x83: {  	[sflag:s0] =	ssyncset.done $0x0  }
0x84: {  	[sflag:s0] =	ssyncadd.s32 $0xFFFFC000  }
0x85: {  	_ =	swait.ge [sflag:s1], $0x4000  }
0x86: {  	[sflag:s1] =	ssyncset.done $0x0  }
0x87: {  	s15 =	sadd.s32 $0x1, s15;
	[sflag:s1] =	ssyncadd.s32 $0xFFFFC000  }
0x88: {  	p0 =	sne.s32 s15, s12;
	_ =	swait.ge [sflag:s29], $0x4000  }
.Ltmp1:
0x89: {  	[sflag:s29] =	ssyncset.done $0x0;
	(pc) =	sbr.rel @p0 .LBB2_1-.Ltmp1, $4  }
0x8a: {  	[sflag:s29] =	ssyncadd.s32 $0xFFFFC000  }
0x8b: {  	_ =	swait.ge [sflag:s31], $0x4000  }
0x8c: {  	[sflag:s31] =	ssyncset.done $0x0  }
0x8d: {  	[sflag:s31] =	ssyncadd.s32 $0xFFFFC000  }
0x8e: {  	_ =	sfence.sel $0x180000  }
0x8f: {  	[bflag:$0x0] =	sbarrier.arrive $0xFFFF  }
0x90: {  	_ =	strace $0x90000047  }
0x91: {  	s0 =	stileid.u32;
	[bflag:$0x2] =	sbarrier.arrive $0xFFFF  }
0x92: {  	p0 =	sne.s32 s0, $0x0;
	s0 =	rddreg [dreg:$0x3]  }
0x93: {  	s0 =	sadd.s32 @!p0 $0x100000, s0  }
0x94: {  	[sflag:s0] =	ssyncadd.tile.s32 @!p0 $0x1;
	_ =	shalt  }
.Lfunc_end2:
_tile_overlayer_lowered:
.L_overlay_start_2:
0x95: {  	(tag) =	ssettag $0x2  }
0x96: {  	s0 =	rddreg [dreg:$0x0];
	s2 =	stileid.u32  }
0x97: {  	s1 =	rddreg [dreg:$0x1];
	p0 =	sne.s32 s2, $0x0  }
0x98: {  	s3 =	rddreg [dreg:$0x2];
	[bflag:$0x3] =	sbarrier.arrive $0xFFFF;
	s2 =	simm.s32 @!p0 $0x1C09  }
0x99: {  	[timem:s3], [sflag:s2] =	dma.local @!p0 [hbm:s0], s1  }
0x9a: {  	s0 =	simm.s32 @!p0 $0x9  }
0x9b: {  	_ =	swait.ge @!p0 [sflag:s0], s1  }
0x9c: {  	s1 =	ssub.s32 @!p0 $0x0, s1;
	[sflag:s0] =	ssyncset.done @!p0 $0x0  }
0x9d: {  	[sflag:s0] =	ssyncadd.s32 @!p0 s1  }
0x9e: {  	[bflag:$0x3] =	sbarrier.arrive $0xFFFF  }
0x9f: {  	_ =	shalt  }

</sc_bundles>
